<compile_context>
chip_gen: v7x
topology: tpu7x:2x2x1
jax: 0.10.2.dev20260603
libtpu: 0.0.44.dev20260713+nightly
codegen_flags: <defaults>
</compile_context>

<pallas_src>
import functools

import jax
import jax.numpy as jnp
from jax import lax
from jax.experimental import pallas as pl
from jax.experimental.pallas import tpu as pltpu
from jax.experimental.pallas import tpu_sc as plsc

N = 10000
E = 320000
D_IN = 128
D_HID = 512

NC = 2
NS = 16
ROWS_PER_TILE = N // NS
EDGES_PER_CORE = E // NC
EDGES_PER_TILE = EDGES_PER_CORE // NS
CHUNK = 80
NCHUNK = EDGES_PER_TILE // CHUNK
NBUF = 4
NIDX = 2 * NBUF

_EPS = 1e-5



def _idx_copy(idx_hbm, buf, sem, off):
    return pltpu.async_copy(idx_hbm.at[pl.ds(off, CHUNK)], buf, sem)


def _idx_wait(idx_hbm, buf, sem, off):
    pltpu.make_async_copy(idx_hbm.at[pl.ds(off, CHUNK)], buf, sem).wait()


def _sc_agg_body(x_hbm, src_hbm, dst_hbm, zeros_hbm, out_hbm,
                 sidx, didx, rows, isem, gsem, acc_sh):
    cid = lax.axis_index("c")
    sid = lax.axis_index("s")
    w = cid * NS + sid
    base = w * EDGES_PER_TILE

    pltpu.sync_copy(zeros_hbm, acc_sh.at[pl.ds(sid * ROWS_PER_TILE, ROWS_PER_TILE)])

    for k in range(NIDX):
        off = pl.multiple_of(base + k * CHUNK, 8)
        _idx_copy(src_hbm, sidx.at[k], isem.at[k], off)
        _idx_copy(dst_hbm, didx.at[k], isem.at[k], off)
    for b in range(NBUF):
        off = pl.multiple_of(base + b * CHUNK, 8)
        _idx_wait(src_hbm, sidx.at[b], isem.at[b], off)
        _idx_wait(dst_hbm, didx.at[b], isem.at[b], off)
        pltpu.async_copy(x_hbm.at[sidx.at[b]], rows.at[b], gsem.at[b])

    plsc.subcore_barrier()

    def body(j, carry):
        slot = lax.rem(j, NBUF)
        islot = lax.rem(j, NIDX)
        off = pl.multiple_of(base + j * CHUNK, 8)
        pltpu.make_async_copy(x_hbm.at[sidx.at[islot]], rows.at[slot],
                              gsem.at[slot]).wait()
        pltpu.sync_copy(rows.at[slot], acc_sh.at[didx.at[islot]], add=True)

        nxt = j + NBUF

        @pl.when(nxt < NCHUNK)
        def _():
            ns = lax.rem(nxt, NIDX)
            noff = pl.multiple_of(base + nxt * CHUNK, 8)
            _idx_wait(src_hbm, sidx.at[ns], isem.at[ns], noff)
            _idx_wait(dst_hbm, didx.at[ns], isem.at[ns], noff)
            pltpu.async_copy(x_hbm.at[sidx.at[ns]], rows.at[slot],
                             gsem.at[slot])

        nxt2 = j + NIDX

        @pl.when(nxt2 < NCHUNK)
        def _():
            n2off = pl.multiple_of(base + nxt2 * CHUNK, 8)
            _idx_copy(src_hbm, sidx.at[islot], isem.at[islot], n2off)
            _idx_copy(dst_hbm, didx.at[islot], isem.at[islot], n2off)

        return carry

    lax.fori_loop(0, NCHUNK, body, 0)
    plsc.subcore_barrier()

    pltpu.sync_copy(acc_sh.at[pl.ds(sid * ROWS_PER_TILE, ROWS_PER_TILE)],
                    out_hbm.at[w])


@functools.cache
def _get_sc_agg():
    mesh = plsc.VectorSubcoreMesh(core_axis_name="c", subcore_axis_name="s",
                                  num_cores=NC, num_subcores=NS)
    return pl.kernel(
        _sc_agg_body,
        out_type=jax.ShapeDtypeStruct((NC * NS, ROWS_PER_TILE, D_IN), jnp.float32),
        mesh=mesh,
        scratch_types=[
            pltpu.VMEM((NIDX, CHUNK), jnp.int32),
            pltpu.VMEM((NIDX, CHUNK), jnp.int32),
            pltpu.VMEM((NBUF, CHUNK, D_IN), jnp.float32),
            pltpu.SemaphoreType.DMA((NIDX,)),
            pltpu.SemaphoreType.DMA((NBUF,)),
            pltpu.VMEM_SHARED((N, D_IN), jnp.float32),
        ],
    )



BLK = 1000
NB = N // BLK

_TC_PARAMS = pltpu.CompilerParams(dimension_semantics=("arbitrary",))


def _matmul_t(a, w):
    return lax.dot_general(a, w, (((1,), (1,)), ((), ())),
                           preferred_element_type=jnp.float32,
                           precision=lax.Precision.HIGHEST)


def _t1_body(x_ref, p0_ref, p1_ref, w1_ref, b1_ref, z1_ref, stats_ref):
    i = pl.program_id(0)
    h = x_ref[...] + p0_ref[...] + p1_ref[...]
    z = _matmul_t(h, w1_ref[...]) + b1_ref[...]
    z1_ref[...] = z

    @pl.when(i == 0)
    def _():
        stats_ref[...] = jnp.zeros_like(stats_ref)

    stats_ref[0:1, :] += jnp.sum(z, axis=0, keepdims=True)
    stats_ref[1:2, :] += jnp.sum(z * z, axis=0, keepdims=True)


def _bn_prelu(z, stats, g, be, a):
    mean = stats[0:1, :] * (1.0 / N)
    var = stats[1:2, :] * (1.0 / N) - mean * mean
    xhat = (z - mean) * lax.rsqrt(var + _EPS)
    o = xhat * g + be
    return jnp.maximum(o, 0.0) + a * jnp.minimum(o, 0.0)


def _t2_body(z1_ref, stats1_ref, g1_ref, be1_ref, a1_ref, w2_ref, b2_ref,
             z2_ref, stats_ref):
    i = pl.program_id(0)
    x1 = _bn_prelu(z1_ref[...], stats1_ref[...], g1_ref[...], be1_ref[...],
                   a1_ref[0, 0])
    z = _matmul_t(x1, w2_ref[...]) + b2_ref[...]
    z2_ref[...] = z

    @pl.when(i == 0)
    def _():
        stats_ref[...] = jnp.zeros_like(stats_ref)

    stats_ref[0:1, :] += jnp.sum(z, axis=0, keepdims=True)
    stats_ref[1:2, :] += jnp.sum(z * z, axis=0, keepdims=True)


def _t3_body(z2_ref, stats2_ref, g2_ref, be2_ref, a2_ref, x_ref, out_ref):
    o = _bn_prelu(z2_ref[...], stats2_ref[...], g2_ref[...], be2_ref[...],
                  a2_ref[0, 0])
    out_ref[...] = o + x_ref[...]


def _row_spec(d):
    return pl.BlockSpec((BLK, d), lambda i: (i, 0))


def _full_spec(shape):
    return pl.BlockSpec(shape, lambda i: tuple(0 for _ in shape))


_t1 = pl.pallas_call(
    _t1_body,
    grid=(NB,),
    in_specs=[_row_spec(D_IN), _row_spec(D_IN), _row_spec(D_IN),
              _full_spec((D_HID, D_IN)), _full_spec((1, D_HID))],
    out_specs=[_row_spec(D_HID), _full_spec((2, D_HID))],
    out_shape=[jax.ShapeDtypeStruct((N, D_HID), jnp.float32),
               jax.ShapeDtypeStruct((2, D_HID), jnp.float32)],
    compiler_params=_TC_PARAMS,
)

_t2 = pl.pallas_call(
    _t2_body,
    grid=(NB,),
    in_specs=[_row_spec(D_HID), _full_spec((2, D_HID)), _full_spec((1, D_HID)),
              _full_spec((1, D_HID)), _full_spec((1, 1)),
              _full_spec((D_IN, D_HID)), _full_spec((1, D_IN))],
    out_specs=[_row_spec(D_IN), _full_spec((2, D_IN))],
    out_shape=[jax.ShapeDtypeStruct((N, D_IN), jnp.float32),
               jax.ShapeDtypeStruct((2, D_IN), jnp.float32)],
    compiler_params=_TC_PARAMS,
)

_t3 = pl.pallas_call(
    _t3_body,
    grid=(NB,),
    in_specs=[_row_spec(D_IN), _full_spec((2, D_IN)), _full_spec((1, D_IN)),
              _full_spec((1, D_IN)), _full_spec((1, 1)), _row_spec(D_IN)],
    out_specs=_row_spec(D_IN),
    out_shape=jax.ShapeDtypeStruct((N, D_IN), jnp.float32),
    compiler_params=_TC_PARAMS,
)


def kernel(x, edge_index, W1, b1, g1, be1, a1, W2, b2, g2, be2, a2):
    src = edge_index[0].astype(jnp.int32)
    dst = edge_index[1].astype(jnp.int32)
    zeros = jnp.zeros((ROWS_PER_TILE, D_IN), jnp.float32)

    parts = _get_sc_agg()(x, src, dst, zeros).reshape(NC, N, D_IN)

    z1, stats1 = _t1(x, parts[0], parts[1], W1, b1.reshape(1, D_HID))
    z2, stats2 = _t2(z1, stats1, g1.reshape(1, D_HID), be1.reshape(1, D_HID),
                     a1.reshape(1, 1), W2, b2.reshape(1, D_IN))
    out = _t3(z2, stats2, g2.reshape(1, D_IN), be2.reshape(1, D_IN),
              a2.reshape(1, 1), x)
    return out

# --- scband reference (transcript-rebuilt; emitter-appended) ---
"""Pipeline reference for scband-maeginconv-9749575762320 (READ-ONLY COPY).

The authoritative reference and input builder live on the scoring server;
editing this copy changes nothing except your own understanding.
"""

import jax, jax.numpy as jnp
import numpy as np

N = 10000
E = 320000
D_IN = 128
D_HID = 512
D_OUT = 128


def _batchnorm(x, gamma, beta, eps=1e-5):
    mean = jnp.mean(x, axis=0, keepdims=True)
    var = jnp.var(x, axis=0, keepdims=True)
    xhat = (x - mean) / jnp.sqrt(var + eps)
    return xhat * gamma + beta


def _prelu(x, a):
    return jnp.maximum(x, 0.0) + a * jnp.minimum(x, 0.0)


def setup_inputs(seed: int = 0) -> dict:
    key = jax.random.key(seed)
    ks = jax.random.split(key, 8)
    x = jax.random.normal(ks[0], (N, D_IN), dtype=jnp.float32)
    edge_index = jax.random.randint(ks[1], (2, E), 0, N, dtype=jnp.int64)
    W1 = jax.random.normal(ks[2], (D_HID, D_IN), dtype=jnp.float32) * (1.0 / np.sqrt(D_IN))
    b1 = jnp.zeros((D_HID,), dtype=jnp.float32)
    g1 = jnp.ones((D_HID,), dtype=jnp.float32)
    be1 = jnp.zeros((D_HID,), dtype=jnp.float32)
    a1 = jnp.array(0.25, dtype=jnp.float32)
    W2 = jax.random.normal(ks[3], (D_OUT, D_HID), dtype=jnp.float32) * (1.0 / np.sqrt(D_HID))
    b2 = jnp.zeros((D_OUT,), dtype=jnp.float32)
    g2 = jnp.ones((D_OUT,), dtype=jnp.float32)
    be2 = jnp.zeros((D_OUT,), dtype=jnp.float32)
    a2 = jnp.array(0.25, dtype=jnp.float32)
    return {"x": x, "edge_index": edge_index, "W1": W1, "b1": b1, "g1": g1, "be1": be1,
            "a1": a1, "W2": W2, "b2": b2, "g2": g2, "be2": be2, "a2": a2}


def reference(x, edge_index, W1, b1, g1, be1, a1, W2, b2, g2, be2, a2):
    src = edge_index[0]
    dst = edge_index[1]
    # GINConv with nn=Identity, eps=0: out = (1+eps)*x + sum_{j in N(i)} x_j
    agg = jnp.zeros_like(x).at[dst].add(x[src])
    o = x + agg
    # lr1 + bn1 + PReLU
    o = o @ W1.T + b1
    o = _batchnorm(o, g1, be1)
    o = _prelu(o, a1)
    # lr2 + bn2 + PReLU
    o = o @ W2.T + b2
    o = _batchnorm(o, g2, be2)
    o = _prelu(o, a2)
    # residual (Identity since input_dim == output_dim)
    return o + x

if __name__ == "__main__":
    import jax
    _d = setup_inputs()
    print(jax.jit(kernel)(*tuple(_d.values())))

</pallas_src>

<mosaic_0001>
#map = affine_map<(d0, d1) -> (0, 0)>
#map1 = affine_map<(d0, d1) -> (0)>
#map2 = affine_map<(d0, d1) -> (0, 0, 0)>
module attributes {stable_mosaic.version = 14 : i64} {
  func.func @_sc_agg_body(%arg0: i32, %arg1: i32, %arg2: memref<10000x128xf32, #tpu.memory_space<hbm>>, %arg3: memref<320000xi32, #tpu.memory_space<hbm>>, %arg4: memref<320000xi32, #tpu.memory_space<hbm>>, %arg5: memref<625x128xf32, #tpu.memory_space<hbm>>, %arg6: memref<32x625x128xf32, #tpu.memory_space<hbm>>, %arg7: memref<8x80xi32, #tpu.memory_space<vmem>>, %arg8: memref<8x80xi32, #tpu.memory_space<vmem>>, %arg9: memref<4x80x128xf32, #tpu.memory_space<vmem>>, %arg10: memref<8x!tpu.dma_semaphore, #tpu.memory_space<semaphore_mem>>, %arg11: memref<4x!tpu.dma_semaphore, #tpu.memory_space<semaphore_mem>>, %arg12: memref<10000x128xf32, #tpu.memory_space<vmem_shared>>) attributes {dimension_semantics = [#tpu.dimension_semantics<core_parallel>, #tpu.dimension_semantics<subcore_parallel>], iteration_bounds = array<i64: 2, 16>, scalar_prefetch = 0 : i64, scratch_operands = 6 : i64, tpu.core_type = #tpu.core_type<sc_vector_subcore>, window_params = [{transform_indices = #map}, {transform_indices = #map1}, {transform_indices = #map1}, {transform_indices = #map}, {transform_indices = #map2}]} {
    %mul3A = arith.constant 16 : i32
    %mul3A_0 = arith.muli %arg0, %mul3A : i32
    %add3A = arith.addi %mul3A_0, %arg1 : i32
    %mul3A_1 = arith.constant 10000 : i32
    %mul3A_2 = arith.muli %add3A, %mul3A_1 : i32
    %mul3A_3 = arith.constant 625 : i32
    %mul3A_4 = arith.muli %arg1, %mul3A_3 : i32
    "tpu.region"() ({
      %run_scoped3A = tpu.sem_alloc : memref<!tpu.dma_semaphore, #tpu.memory_space<semaphore_mem>>
      %dma_start3A_394 = arith.constant 0 : i32
      %dma_start3A_395 = tpu.memref_slice %arg12[%mul3A_4, %dma_start3A_394] : memref<10000x128xf32, #tpu.memory_space<vmem_shared>> -> memref<625x128xf32, #tpu.memory_space<vmem_shared>>
      tpu.enqueue_dma source(%arg5 : memref<625x128xf32, #tpu.memory_space<hbm>>) target(%dma_start3A_395 : memref<625x128xf32, #tpu.memory_space<vmem_shared>>) target_semaphore(%run_scoped3A : memref<!tpu.dma_semaphore, #tpu.memory_space<semaphore_mem>>)
      %dma_wait3A_396 = arith.constant 0 : i32
      %dma_wait3A_397 = tpu.memref_slice %arg12[%mul3A_4, %dma_wait3A_396] : memref<10000x128xf32, #tpu.memory_space<vmem_shared>> -> memref<625x128xf32, #tpu.memory_space<vmem_shared>>
      tpu.wait_dma2 semaphore(%run_scoped3A : memref<!tpu.dma_semaphore, #tpu.memory_space<semaphore_mem>>) src(%arg5 : memref<625x128xf32, #tpu.memory_space<hbm>>) dst(%dma_wait3A_397 : memref<625x128xf32, #tpu.memory_space<vmem_shared>>)
      tpu.yield
    }) : () -> ()
    %add3A_5 = arith.constant 0 : i32
    %add3A_6 = arith.addi %mul3A_2, %add3A_5 : i32
    %multiple_of3A = tpu.assume_multiple %add3A_6, 8 : i32
    %dma_start3A = arith.constant 0 : i32
    %dma_start3A_7 = arith.constant 0 : i32
    %dma_start3A_8 = arith.constant 0 : i32
    %dma_start3A_9 = tpu.memref_slice %arg7[%dma_start3A, %dma_start3A_8] : memref<8x80xi32, #tpu.memory_space<vmem>> -> memref<1x80xi32, #tpu.memory_space<vmem>>
    %dma_start3A_10 = tpu.memref_squeeze %dma_start3A_9 : memref<1x80xi32, #tpu.memory_space<vmem>> -> memref<80xi32, #tpu.memory_space<vmem>>
    %dma_start3A_11 = tpu.memref_slice %arg3[%multiple_of3A] : memref<320000xi32, #tpu.memory_space<hbm>> -> memref<80xi32, #tpu.memory_space<hbm>>
    %dma_start3A_12 = tpu.memref_slice %arg10[%dma_start3A_7] : memref<8x!tpu.dma_semaphore, #tpu.memory_space<semaphore_mem>> -> memref<1x!tpu.dma_semaphore, #tpu.memory_space<semaphore_mem>>
    %dma_start3A_13 = tpu.memref_squeeze %dma_start3A_12 : memref<1x!tpu.dma_semaphore, #tpu.memory_space<semaphore_mem>> -> memref<!tpu.dma_semaphore, #tpu.memory_space<semaphore_mem>>
    %dma_start3A_14 = arith.constant 0 : i32
    %dma_start3A_15 = tpu.memref_slice %arg7[%dma_start3A, %dma_start3A_14] : memref<8x80xi32, #tpu.memory_space<vmem>> -> memref<1x80xi32, #tpu.memory_space<vmem>>
    %dma_start3A_16 = tpu.memref_squeeze %dma_start3A_15 : memref<1x80xi32, #tpu.memory_space<vmem>> -> memref<80xi32, #tpu.memory_space<vmem>>
    %dma_start3A_17 = tpu.memref_slice %arg3[%multiple_of3A] : memref<320000xi32, #tpu.memory_space<hbm>> -> memref<80xi32, #tpu.memory_space<hbm>>
    tpu.enqueue_dma source(%dma_start3A_17 : memref<80xi32, #tpu.memory_space<hbm>>) target(%dma_start3A_16 : memref<80xi32, #tpu.memory_space<vmem>>) target_semaphore(%dma_start3A_13 : memref<!tpu.dma_semaphore, #tpu.memory_space<semaphore_mem>>)
    %dma_start3A_18 = arith.constant 0 : i32
    %dma_start3A_19 = arith.constant 0 : i32
    %dma_start3A_20 = arith.constant 0 : i32
    %dma_start3A_21 = tpu.memref_slice %arg8[%dma_start3A_18, %dma_start3A_20] : memref<8x80xi32, #tpu.memory_space<vmem>> -> memref<1x80xi32, #tpu.memory_space<vmem>>
    %dma_start3A_22 = tpu.memref_squeeze %dma_start3A_21 : memref<1x80xi32, #tpu.memory_space<vmem>> -> memref<80xi32, #tpu.memory_space<vmem>>
    %dma_start3A_23 = tpu.memref_slice %arg4[%multiple_of3A] : memref<320000xi32, #tpu.memory_space<hbm>> -> memref<80xi32, #tpu.memory_space<hbm>>
    %dma_start3A_24 = tpu.memref_slice %arg10[%dma_start3A_19] : memref<8x!tpu.dma_semaphore, #tpu.memory_space<semaphore_mem>> -> memref<1x!tpu.dma_semaphore, #tpu.memory_space<semaphore_mem>>
    %dma_start3A_25 = tpu.memref_squeeze %dma_start3A_24 : memref<1x!tpu.dma_semaphore, #tpu.memory_space<semaphore_mem>> -> memref<!tpu.dma_semaphore, #tpu.memory_space<semaphore_mem>>
    %dma_start3A_26 = arith.constant 0 : i32
    %dma_start3A_27 = tpu.memref_slice %arg8[%dma_start3A_18, %dma_start3A_26] : memref<8x80xi32, #tpu.memory_space<vmem>> -> memref<1x80xi32, #tpu.memory_space<vmem>>
    %dma_start3A_28 = tpu.memref_squeeze %dma_start3A_27 : memref<1x80xi32, #tpu.memory_space<vmem>> -> memref<80xi32, #tpu.memory_space<vmem>>
    %dma_start3A_29 = tpu.memref_slice %arg4[%multiple_of3A] : memref<320000xi32, #tpu.memory_space<hbm>> -> memref<80xi32, #tpu.memory_space<hbm>>
    tpu.enqueue_dma source(%dma_start3A_29 : memref<80xi32, #tpu.memory_space<hbm>>) target(%dma_start3A_28 : memref<80xi32, #tpu.memory_space<vmem>>) target_semaphore(%dma_start3A_25 : memref<!tpu.dma_semaphore, #tpu.memory_space<semaphore_mem>>)
    %add3A_30 = arith.constant 80 : i32
    %add3A_31 = arith.addi %mul3A_2, %add3A_30 : i32
    %multiple_of3A_32 = tpu.assume_multiple %add3A_31, 8 : i32
    %dma_start3A_33 = arith.constant 1 : i32
    %dma_start3A_34 = arith.constant 1 : i32
    %dma_start3A_35 = arith.constant 0 : i32
    %dma_start3A_36 = tpu.memref_slice %arg7[%dma_start3A_33, %dma_start3A_35] : memref<8x80xi32, #tpu.memory_space<vmem>> -> memref<1x80xi32, #tpu.memory_space<vmem>>
    %dma_start3A_37 = tpu.memref_squeeze %dma_start3A_36 : memref<1x80xi32, #tpu.memory_space<vmem>> -> memref<80xi32, #tpu.memory_space<vmem>>
    %dma_start3A_38 = tpu.memref_slice %arg3[%multiple_of3A_32] : memref<320000xi32, #tpu.memory_space<hbm>> -> memref<80xi32, #tpu.memory_space<hbm>>
    %dma_start3A_39 = tpu.memref_slice %arg10[%dma_start3A_34] : memref<8x!tpu.dma_semaphore, #tpu.memory_space<semaphore_mem>> -> memref<1x!tpu.dma_semaphore, #tpu.memory_space<semaphore_mem>>
    %dma_start3A_40 = tpu.memref_squeeze %dma_start3A_39 : memref<1x!tpu.dma_semaphore, #tpu.memory_space<semaphore_mem>> -> memref<!tpu.dma_semaphore, #tpu.memory_space<semaphore_mem>>
    %dma_start3A_41 = arith.constant 0 : i32
    %dma_start3A_42 = tpu.memref_slice %arg7[%dma_start3A_33, %dma_start3A_41] : memref<8x80xi32, #tpu.memory_space<vmem>> -> memref<1x80xi32, #tpu.memory_space<vmem>>
    %dma_start3A_43 = tpu.memref_squeeze %dma_start3A_42 : memref<1x80xi32, #tpu.memory_space<vmem>> -> memref<80xi32, #tpu.memory_space<vmem>>
    %dma_start3A_44 = tpu.memref_slice %arg3[%multiple_of3A_32] : memref<320000xi32, #tpu.memory_space<hbm>> -> memref<80xi32, #tpu.memory_space<hbm>>
    tpu.enqueue_dma source(%dma_start3A_44 : memref<80xi32, #tpu.memory_space<hbm>>) target(%dma_start3A_43 : memref<80xi32, #tpu.memory_space<vmem>>) target_semaphore(%dma_start3A_40 : memref<!tpu.dma_semaphore, #tpu.memory_space<semaphore_mem>>)
    %dma_start3A_45 = arith.constant 1 : i32
    %dma_start3A_46 = arith.constant 1 : i32
    %dma_start3A_47 = arith.constant 0 : i32
    %dma_start3A_48 = tpu.memref_slice %arg8[%dma_start3A_45, %dma_start3A_47] : memref<8x80xi32, #tpu.memory_space<vmem>> -> memref<1x80xi32, #tpu.memory_space<vmem>>
    %dma_start3A_49 = tpu.memref_squeeze %dma_start3A_48 : memref<1x80xi32, #tpu.memory_space<vmem>> -> memref<80xi32, #tpu.memory_space<vmem>>
    %dma_start3A_50 = tpu.memref_slice %arg4[%multiple_of3A_32] : memref<320000xi32, #tpu.memory_space<hbm>> -> memref<80xi32, #tpu.memory_space<hbm>>
    %dma_start3A_51 = tpu.memref_slice %arg10[%dma_start3A_46] : memref<8x!tpu.dma_semaphore, #tpu.memory_space<semaphore_mem>> -> memref<1x!tpu.dma_semaphore, #tpu.memory_space<semaphore_mem>>
    %dma_start3A_52 = tpu.memref_squeeze %dma_start3A_51 : memref<1x!tpu.dma_semaphore, #tpu.memory_space<semaphore_mem>> -> memref<!tpu.dma_semaphore, #tpu.memory_space<semaphore_mem>>
    %dma_start3A_53 = arith.constant 0 : i32
    %dma_start3A_54 = tpu.memref_slice %arg8[%dma_start3A_45, %dma_start3A_53] : memref<8x80xi32, #tpu.memory_space<vmem>> -> memref<1x80xi32, #tpu.memory_space<vmem>>
    %dma_start3A_55 = tpu.memref_squeeze %dma_start3A_54 : memref<1x80xi32, #tpu.memory_space<vmem>> -> memref<80xi32, #tpu.memory_space<vmem>>
    %dma_start3A_56 = tpu.memref_slice %arg4[%multiple_of3A_32] : memref<320000xi32, #tpu.memory_space<hbm>> -> memref<80xi32, #tpu.memory_space<hbm>>
    tpu.enqueue_dma source(%dma_start3A_56 : memref<80xi32, #tpu.memory_space<hbm>>) target(%dma_start3A_55 : memref<80xi32, #tpu.memory_space<vmem>>) target_semaphore(%dma_start3A_52 : memref<!tpu.dma_semaphore, #tpu.memory_space<semaphore_mem>>)
    %add3A_57 = arith.constant 160 : i32
    %add3A_58 = arith.addi %mul3A_2, %add3A_57 : i32
    %multiple_of3A_59 = tpu.assume_multiple %add3A_58, 8 : i32
    %dma_start3A_60 = arith.constant 2 : i32
    %dma_start3A_61 = arith.constant 2 : i32
    %dma_start3A_62 = arith.constant 0 : i32
    %dma_start3A_63 = tpu.memref_slice %arg7[%dma_start3A_60, %dma_start3A_62] : memref<8x80xi32, #tpu.memory_space<vmem>> -> memref<1x80xi32, #tpu.memory_space<vmem>>
    %dma_start3A_64 = tpu.memref_squeeze %dma_start3A_63 : memref<1x80xi32, #tpu.memory_space<vmem>> -> memref<80xi32, #tpu.memory_space<vmem>>
    %dma_start3A_65 = tpu.memref_slice %arg3[%multiple_of3A_59] : memref<320000xi32, #tpu.memory_space<hbm>> -> memref<80xi32, #tpu.memory_space<hbm>>
    %dma_start3A_66 = tpu.memref_slice %arg10[%dma_start3A_61] : memref<8x!tpu.dma_semaphore, #tpu.memory_space<semaphore_mem>> -> memref<1x!tpu.dma_semaphore, #tpu.memory_space<semaphore_mem>>
    %dma_start3A_67 = tpu.memref_squeeze %dma_start3A_66 : memref<1x!tpu.dma_semaphore, #tpu.memory_space<semaphore_mem>> -> memref<!tpu.dma_semaphore, #tpu.memory_space<semaphore_mem>>
    %dma_start3A_68 = arith.constant 0 : i32
    %dma_start3A_69 = tpu.memref_slice %arg7[%dma_start3A_60, %dma_start3A_68] : memref<8x80xi32, #tpu.memory_space<vmem>> -> memref<1x80xi32, #tpu.memory_space<vmem>>
    %dma_start3A_70 = tpu.memref_squeeze %dma_start3A_69 : memref<1x80xi32, #tpu.memory_space<vmem>> -> memref<80xi32, #tpu.memory_space<vmem>>
    %dma_start3A_71 = tpu.memref_slice %arg3[%multiple_of3A_59] : memref<320000xi32, #tpu.memory_space<hbm>> -> memref<80xi32, #tpu.memory_space<hbm>>
    tpu.enqueue_dma source(%dma_start3A_71 : memref<80xi32, #tpu.memory_space<hbm>>) target(%dma_start3A_70 : memref<80xi32, #tpu.memory_space<vmem>>) target_semaphore(%dma_start3A_67 : memref<!tpu.dma_semaphore, #tpu.memory_space<semaphore_mem>>)
    %dma_start3A_72 = arith.constant 2 : i32
    %dma_start3A_73 = arith.constant 2 : i32
    %dma_start3A_74 = arith.constant 0 : i32
    %dma_start3A_75 = tpu.memref_slice %arg8[%dma_start3A_72, %dma_start3A_74] : memref<8x80xi32, #tpu.memory_space<vmem>> -> memref<1x80xi32, #tpu.memory_space<vmem>>
    %dma_start3A_76 = tpu.memref_squeeze %dma_start3A_75 : memref<1x80xi32, #tpu.memory_space<vmem>> -> memref<80xi32, #tpu.memory_space<vmem>>
    %dma_start3A_77 = tpu.memref_slice %arg4[%multiple_of3A_59] : memref<320000xi32, #tpu.memory_space<hbm>> -> memref<80xi32, #tpu.memory_space<hbm>>
    %dma_start3A_78 = tpu.memref_slice %arg10[%dma_start3A_73] : memref<8x!tpu.dma_semaphore, #tpu.memory_space<semaphore_mem>> -> memref<1x!tpu.dma_semaphore, #tpu.memory_space<semaphore_mem>>
    %dma_start3A_79 = tpu.memref_squeeze %dma_start3A_78 : memref<1x!tpu.dma_semaphore, #tpu.memory_space<semaphore_mem>> -> memref<!tpu.dma_semaphore, #tpu.memory_space<semaphore_mem>>
    %dma_start3A_80 = arith.constant 0 : i32
    %dma_start3A_81 = tpu.memref_slice %arg8[%dma_start3A_72, %dma_start3A_80] : memref<8x80xi32, #tpu.memory_space<vmem>> -> memref<1x80xi32, #tpu.memory_space<vmem>>
    %dma_start3A_82 = tpu.memref_squeeze %dma_start3A_81 : memref<1x80xi32, #tpu.memory_space<vmem>> -> memref<80xi32, #tpu.memory_space<vmem>>
    %dma_start3A_83 = tpu.memref_slice %arg4[%multiple_of3A_59] : memref<320000xi32, #tpu.memory_space<hbm>> -> memref<80xi32, #tpu.memory_space<hbm>>
    tpu.enqueue_dma source(%dma_start3A_83 : memref<80xi32, #tpu.memory_space<hbm>>) target(%dma_start3A_82 : memref<80xi32, #tpu.memory_space<vmem>>) target_semaphore(%dma_start3A_79 : memref<!tpu.dma_semaphore, #tpu.memory_space<semaphore_mem>>)
    %add3A_84 = arith.constant 240 : i32
    %add3A_85 = arith.addi %mul3A_2, %add3A_84 : i32
    %multiple_of3A_86 = tpu.assume_multiple %add3A_85, 8 : i32
    %dma_start3A_87 = arith.constant 3 : i32
    %dma_start3A_88 = arith.constant 3 : i32
    %dma_start3A_89 = arith.constant 0 : i32
    %dma_start3A_90 = tpu.memref_slice %arg7[%dma_start3A_87, %dma_start3A_89] : memref<8x80xi32, #tpu.memory_space<vmem>> -> memref<1x80xi32, #tpu.memory_space<vmem>>
    %dma_start3A_91 = tpu.memref_squeeze %dma_start3A_90 : memref<1x80xi32, #tpu.memory_space<vmem>> -> memref<80xi32, #tpu.memory_space<vmem>>
    %dma_start3A_92 = tpu.memref_slice %arg3[%multiple_of3A_86] : memref<320000xi32, #tpu.memory_space<hbm>> -> memref<80xi32, #tpu.memory_space<hbm>>
    %dma_start3A_93 = tpu.memref_slice %arg10[%dma_start3A_88] : memref<8x!tpu.dma_semaphore, #tpu.memory_space<semaphore_mem>> -> memref<1x!tpu.dma_semaphore, #tpu.memory_space<semaphore_mem>>
    %dma_start3A_94 = tpu.memref_squeeze %dma_start3A_93 : memref<1x!tpu.dma_semaphore, #tpu.memory_space<semaphore_mem>> -> memref<!tpu.dma_semaphore, #tpu.memory_space<semaphore_mem>>
    %dma_start3A_95 = arith.constant 0 : i32
    %dma_start3A_96 = tpu.memref_slice %arg7[%dma_start3A_87, %dma_start3A_95] : memref<8x80xi32, #tpu.memory_space<vmem>> -> memref<1x80xi32, #tpu.memory_space<vmem>>
    %dma_start3A_97 = tpu.memref_squeeze %dma_start3A_96 : memref<1x80xi32, #tpu.memory_space<vmem>> -> memref<80xi32, #tpu.memory_space<vmem>>
    %dma_start3A_98 = tpu.memref_slice %arg3[%multiple_of3A_86] : memref<320000xi32, #tpu.memory_space<hbm>> -> memref<80xi32, #tpu.memory_space<hbm>>
    tpu.enqueue_dma source(%dma_start3A_98 : memref<80xi32, #tpu.memory_space<hbm>>) target(%dma_start3A_97 : memref<80xi32, #tpu.memory_space<vmem>>) target_semaphore(%dma_start3A_94 : memref<!tpu.dma_semaphore, #tpu.memory_space<semaphore_mem>>)
    %dma_start3A_99 = arith.constant 3 : i32
    %dma_start3A_100 = arith.constant 3 : i32
    %dma_start3A_101 = arith.constant 0 : i32
    %dma_start3A_102 = tpu.memref_slice %arg8[%dma_start3A_99, %dma_start3A_101] : memref<8x80xi32, #tpu.memory_space<vmem>> -> memref<1x80xi32, #tpu.memory_space<vmem>>
    %dma_start3A_103 = tpu.memref_squeeze %dma_start3A_102 : memref<1x80xi32, #tpu.memory_space<vmem>> -> memref<80xi32, #tpu.memory_space<vmem>>
    %dma_start3A_104 = tpu.memref_slice %arg4[%multiple_of3A_86] : memref<320000xi32, #tpu.memory_space<hbm>> -> memref<80xi32, #tpu.memory_space<hbm>>
    %dma_start3A_105 = tpu.memref_slice %arg10[%dma_start3A_100] : memref<8x!tpu.dma_semaphore, #tpu.memory_space<semaphore_mem>> -> memref<1x!tpu.dma_semaphore, #tpu.memory_space<semaphore_mem>>
    %dma_start3A_106 = tpu.memref_squeeze %dma_start3A_105 : memref<1x!tpu.dma_semaphore, #tpu.memory_space<semaphore_mem>> -> memref<!tpu.dma_semaphore, #tpu.memory_space<semaphore_mem>>
    %dma_start3A_107 = arith.constant 0 : i32
    %dma_start3A_108 = tpu.memref_slice %arg8[%dma_start3A_99, %dma_start3A_107] : memref<8x80xi32, #tpu.memory_space<vmem>> -> memref<1x80xi32, #tpu.memory_space<vmem>>
    %dma_start3A_109 = tpu.memref_squeeze %dma_start3A_108 : memref<1x80xi32, #tpu.memory_space<vmem>> -> memref<80xi32, #tpu.memory_space<vmem>>
    %dma_start3A_110 = tpu.memref_slice %arg4[%multiple_of3A_86] : memref<320000xi32, #tpu.memory_space<hbm>> -> memref<80xi32, #tpu.memory_space<hbm>>
    tpu.enqueue_dma source(%dma_start3A_110 : memref<80xi32, #tpu.memory_space<hbm>>) target(%dma_start3A_109 : memref<80xi32, #tpu.memory_space<vmem>>) target_semaphore(%dma_start3A_106 : memref<!tpu.dma_semaphore, #tpu.memory_space<semaphore_mem>>)
    %add3A_111 = arith.constant 320 : i32
    %add3A_112 = arith.addi %mul3A_2, %add3A_111 : i32
    %multiple_of3A_113 = tpu.assume_multiple %add3A_112, 8 : i32
    %dma_start3A_114 = arith.constant 4 : i32
    %dma_start3A_115 = arith.constant 4 : i32
    %dma_start3A_116 = arith.constant 0 : i32
    %dma_start3A_117 = tpu.memref_slice %arg7[%dma_start3A_114, %dma_start3A_116] : memref<8x80xi32, #tpu.memory_space<vmem>> -> memref<1x80xi32, #tpu.memory_space<vmem>>
    %dma_start3A_118 = tpu.memref_squeeze %dma_start3A_117 : memref<1x80xi32, #tpu.memory_space<vmem>> -> memref<80xi32, #tpu.memory_space<vmem>>
    %dma_start3A_119 = tpu.memref_slice %arg3[%multiple_of3A_113] : memref<320000xi32, #tpu.memory_space<hbm>> -> memref<80xi32, #tpu.memory_space<hbm>>
    %dma_start3A_120 = tpu.memref_slice %arg10[%dma_start3A_115] : memref<8x!tpu.dma_semaphore, #tpu.memory_space<semaphore_mem>> -> memref<1x!tpu.dma_semaphore, #tpu.memory_space<semaphore_mem>>
    %dma_start3A_121 = tpu.memref_squeeze %dma_start3A_120 : memref<1x!tpu.dma_semaphore, #tpu.memory_space<semaphore_mem>> -> memref<!tpu.dma_semaphore, #tpu.memory_space<semaphore_mem>>
    %dma_start3A_122 = arith.constant 0 : i32
    %dma_start3A_123 = tpu.memref_slice %arg7[%dma_start3A_114, %dma_start3A_122] : memref<8x80xi32, #tpu.memory_space<vmem>> -> memref<1x80xi32, #tpu.memory_space<vmem>>
    %dma_start3A_124 = tpu.memref_squeeze %dma_start3A_123 : memref<1x80xi32, #tpu.memory_space<vmem>> -> memref<80xi32, #tpu.memory_space<vmem>>
    %dma_start3A_125 = tpu.memref_slice %arg3[%multiple_of3A_113] : memref<320000xi32, #tpu.memory_space<hbm>> -> memref<80xi32, #tpu.memory_space<hbm>>
    tpu.enqueue_dma source(%dma_start3A_125 : memref<80xi32, #tpu.memory_space<hbm>>) target(%dma_start3A_124 : memref<80xi32, #tpu.memory_space<vmem>>) target_semaphore(%dma_start3A_121 : memref<!tpu.dma_semaphore, #tpu.memory_space<semaphore_mem>>)
    %dma_start3A_126 = arith.constant 4 : i32
    %dma_start3A_127 = arith.constant 4 : i32
    %dma_start3A_128 = arith.constant 0 : i32
    %dma_start3A_129 = tpu.memref_slice %arg8[%dma_start3A_126, %dma_start3A_128] : memref<8x80xi32, #tpu.memory_space<vmem>> -> memref<1x80xi32, #tpu.memory_space<vmem>>
    %dma_start3A_130 = tpu.memref_squeeze %dma_start3A_129 : memref<1x80xi32, #tpu.memory_space<vmem>> -> memref<80xi32, #tpu.memory_space<vmem>>
    %dma_start3A_131 = tpu.memref_slice %arg4[%multiple_of3A_113] : memref<320000xi32, #tpu.memory_space<hbm>> -> memref<80xi32, #tpu.memory_space<hbm>>
    %dma_start3A_132 = tpu.memref_slice %arg10[%dma_start3A_127] : memref<8x!tpu.dma_semaphore, #tpu.memory_space<semaphore_mem>> -> memref<1x!tpu.dma_semaphore, #tpu.memory_space<semaphore_mem>>
    %dma_start3A_133 = tpu.memref_squeeze %dma_start3A_132 : memref<1x!tpu.dma_semaphore, #tpu.memory_space<semaphore_mem>> -> memref<!tpu.dma_semaphore, #tpu.memory_space<semaphore_mem>>
    %dma_start3A_134 = arith.constant 0 : i32
    %dma_start3A_135 = tpu.memref_slice %arg8[%dma_start3A_126, %dma_start3A_134] : memref<8x80xi32, #tpu.memory_space<vmem>> -> memref<1x80xi32, #tpu.memory_space<vmem>>
    %dma_start3A_136 = tpu.memref_squeeze %dma_start3A_135 : memref<1x80xi32, #tpu.memory_space<vmem>> -> memref<80xi32, #tpu.memory_space<vmem>>
    %dma_start3A_137 = tpu.memref_slice %arg4[%multiple_of3A_113] : memref<320000xi32, #tpu.memory_space<hbm>> -> memref<80xi32, #tpu.memory_space<hbm>>
    tpu.enqueue_dma source(%dma_start3A_137 : memref<80xi32, #tpu.memory_space<hbm>>) target(%dma_start3A_136 : memref<80xi32, #tpu.memory_space<vmem>>) target_semaphore(%dma_start3A_133 : memref<!tpu.dma_semaphore, #tpu.memory_space<semaphore_mem>>)
    %add3A_138 = arith.constant 400 : i32
    %add3A_139 = arith.addi %mul3A_2, %add3A_138 : i32
    %multiple_of3A_140 = tpu.assume_multiple %add3A_139, 8 : i32
    %dma_start3A_141 = arith.constant 5 : i32
    %dma_start3A_142 = arith.constant 5 : i32
    %dma_start3A_143 = arith.constant 0 : i32
    %dma_start3A_144 = tpu.memref_slice %arg7[%dma_start3A_141, %dma_start3A_143] : memref<8x80xi32, #tpu.memory_space<vmem>> -> memref<1x80xi32, #tpu.memory_space<vmem>>
    %dma_start3A_145 = tpu.memref_squeeze %dma_start3A_144 : memref<1x80xi32, #tpu.memory_space<vmem>> -> memref<80xi32, #tpu.memory_space<vmem>>
    %dma_start3A_146 = tpu.memref_slice %arg3[%multiple_of3A_140] : memref<320000xi32, #tpu.memory_space<hbm>> -> memref<80xi32, #tpu.memory_space<hbm>>
    %dma_start3A_147 = tpu.memref_slice %arg10[%dma_start3A_142] : memref<8x!tpu.dma_semaphore, #tpu.memory_space<semaphore_mem>> -> memref<1x!tpu.dma_semaphore, #tpu.memory_space<semaphore_mem>>
    %dma_start3A_148 = tpu.memref_squeeze %dma_start3A_147 : memref<1x!tpu.dma_semaphore, #tpu.memory_space<semaphore_mem>> -> memref<!tpu.dma_semaphore, #tpu.memory_space<semaphore_mem>>
    %dma_start3A_149 = arith.constant 0 : i32
    %dma_start3A_150 = tpu.memref_slice %arg7[%dma_start3A_141, %dma_start3A_149] : memref<8x80xi32, #tpu.memory_space<vmem>> -> memref<1x80xi32, #tpu.memory_space<vmem>>
    %dma_start3A_151 = tpu.memref_squeeze %dma_start3A_150 : memref<1x80xi32, #tpu.memory_space<vmem>> -> memref<80xi32, #tpu.memory_space<vmem>>
    %dma_start3A_152 = tpu.memref_slice %arg3[%multiple_of3A_140] : memref<320000xi32, #tpu.memory_space<hbm>> -> memref<80xi32, #tpu.memory_space<hbm>>
    tpu.enqueue_dma source(%dma_start3A_152 : memref<80xi32, #tpu.memory_space<hbm>>) target(%dma_start3A_151 : memref<80xi32, #tpu.memory_space<vmem>>) target_semaphore(%dma_start3A_148 : memref<!tpu.dma_semaphore, #tpu.memory_space<semaphore_mem>>)
    %dma_start3A_153 = arith.constant 5 : i32
    %dma_start3A_154 = arith.constant 5 : i32
    %dma_start3A_155 = arith.constant 0 : i32
    %dma_start3A_156 = tpu.memref_slice %arg8[%dma_start3A_153, %dma_start3A_155] : memref<8x80xi32, #tpu.memory_space<vmem>> -> memref<1x80xi32, #tpu.memory_space<vmem>>
    %dma_start3A_157 = tpu.memref_squeeze %dma_start3A_156 : memref<1x80xi32, #tpu.memory_space<vmem>> -> memref<80xi32, #tpu.memory_space<vmem>>
    %dma_start3A_158 = tpu.memref_slice %arg4[%multiple_of3A_140] : memref<320000xi32, #tpu.memory_space<hbm>> -> memref<80xi32, #tpu.memory_space<hbm>>
    %dma_start3A_159 = tpu.memref_slice %arg10[%dma_start3A_154] : memref<8x!tpu.dma_semaphore, #tpu.memory_space<semaphore_mem>> -> memref<1x!tpu.dma_semaphore, #tpu.memory_space<semaphore_mem>>
    %dma_start3A_160 = tpu.memref_squeeze %dma_start3A_159 : memref<1x!tpu.dma_semaphore, #tpu.memory_space<semaphore_mem>> -> memref<!tpu.dma_semaphore, #tpu.memory_space<semaphore_mem>>
    %dma_start3A_161 = arith.constant 0 : i32
    %dma_start3A_162 = tpu.memref_slice %arg8[%dma_start3A_153, %dma_start3A_161] : memref<8x80xi32, #tpu.memory_space<vmem>> -> memref<1x80xi32, #tpu.memory_space<vmem>>
    %dma_start3A_163 = tpu.memref_squeeze %dma_start3A_162 : memref<1x80xi32, #tpu.memory_space<vmem>> -> memref<80xi32, #tpu.memory_space<vmem>>
    %dma_start3A_164 = tpu.memref_slice %arg4[%multiple_of3A_140] : memref<320000xi32, #tpu.memory_space<hbm>> -> memref<80xi32, #tpu.memory_space<hbm>>
    tpu.enqueue_dma source(%dma_start3A_164 : memref<80xi32, #tpu.memory_space<hbm>>) target(%dma_start3A_163 : memref<80xi32, #tpu.memory_space<vmem>>) target_semaphore(%dma_start3A_160 : memref<!tpu.dma_semaphore, #tpu.memory_space<semaphore_mem>>)
    %add3A_165 = arith.constant 480 : i32
    %add3A_166 = arith.addi %mul3A_2, %add3A_165 : i32
    %multiple_of3A_167 = tpu.assume_multiple %add3A_166, 8 : i32
    %dma_start3A_168 = arith.constant 6 : i32
    %dma_start3A_169 = arith.constant 6 : i32
    %dma_start3A_170 = arith.constant 0 : i32
    %dma_start3A_171 = tpu.memref_slice %arg7[%dma_start3A_168, %dma_start3A_170] : memref<8x80xi32, #tpu.memory_space<vmem>> -> memref<1x80xi32, #tpu.memory_space<vmem>>
    %dma_start3A_172 = tpu.memref_squeeze %dma_start3A_171 : memref<1x80xi32, #tpu.memory_space<vmem>> -> memref<80xi32, #tpu.memory_space<vmem>>
    %dma_start3A_173 = tpu.memref_slice %arg3[%multiple_of3A_167] : memref<320000xi32, #tpu.memory_space<hbm>> -> memref<80xi32, #tpu.memory_space<hbm>>
    %dma_start3A_174 = tpu.memref_slice %arg10[%dma_start3A_169] : memref<8x!tpu.dma_semaphore, #tpu.memory_space<semaphore_mem>> -> memref<1x!tpu.dma_semaphore, #tpu.memory_space<semaphore_mem>>
    %dma_start3A_175 = tpu.memref_squeeze %dma_start3A_174 : memref<1x!tpu.dma_semaphore, #tpu.memory_space<semaphore_mem>> -> memref<!tpu.dma_semaphore, #tpu.memory_space<semaphore_mem>>
    %dma_start3A_176 = arith.constant 0 : i32
    %dma_start3A_177 = tpu.memref_slice %arg7[%dma_start3A_168, %dma_start3A_176] : memref<8x80xi32, #tpu.memory_space<vmem>> -> memref<1x80xi32, #tpu.memory_space<vmem>>
    %dma_start3A_178 = tpu.memref_squeeze %dma_start3A_177 : memref<1x80xi32, #tpu.memory_space<vmem>> -> memref<80xi32, #tpu.memory_space<vmem>>
    %dma_start3A_179 = tpu.memref_slice %arg3[%multiple_of3A_167] : memref<320000xi32, #tpu.memory_space<hbm>> -> memref<80xi32, #tpu.memory_space<hbm>>
    tpu.enqueue_dma source(%dma_start3A_179 : memref<80xi32, #tpu.memory_space<hbm>>) target(%dma_start3A_178 : memref<80xi32, #tpu.memory_space<vmem>>) target_semaphore(%dma_start3A_175 : memref<!tpu.dma_semaphore, #tpu.memory_space<semaphore_mem>>)
    %dma_start3A_180 = arith.constant 6 : i32
    %dma_start3A_181 = arith.constant 6 : i32
    %dma_start3A_182 = arith.constant 0 : i32
    %dma_start3A_183 = tpu.memref_slice %arg8[%dma_start3A_180, %dma_start3A_182] : memref<8x80xi32, #tpu.memory_space<vmem>> -> memref<1x80xi32, #tpu.memory_space<vmem>>
    %dma_start3A_184 = tpu.memref_squeeze %dma_start3A_183 : memref<1x80xi32, #tpu.memory_space<vmem>> -> memref<80xi32, #tpu.memory_space<vmem>>
    %dma_start3A_185 = tpu.memref_slice %arg4[%multiple_of3A_167] : memref<320000xi32, #tpu.memory_space<hbm>> -> memref<80xi32, #tpu.memory_space<hbm>>
    %dma_start3A_186 = tpu.memref_slice %arg10[%dma_start3A_181] : memref<8x!tpu.dma_semaphore, #tpu.memory_space<semaphore_mem>> -> memref<1x!tpu.dma_semaphore, #tpu.memory_space<semaphore_mem>>
    %dma_start3A_187 = tpu.memref_squeeze %dma_start3A_186 : memref<1x!tpu.dma_semaphore, #tpu.memory_space<semaphore_mem>> -> memref<!tpu.dma_semaphore, #tpu.memory_space<semaphore_mem>>
    %dma_start3A_188 = arith.constant 0 : i32
    %dma_start3A_189 = tpu.memref_slice %arg8[%dma_start3A_180, %dma_start3A_188] : memref<8x80xi32, #tpu.memory_space<vmem>> -> memref<1x80xi32, #tpu.memory_space<vmem>>
    %dma_start3A_190 = tpu.memref_squeeze %dma_start3A_189 : memref<1x80xi32, #tpu.memory_space<vmem>> -> memref<80xi32, #tpu.memory_space<vmem>>
    %dma_start3A_191 = tpu.memref_slice %arg4[%multiple_of3A_167] : memref<320000xi32, #tpu.memory_space<hbm>> -> memref<80xi32, #tpu.memory_space<hbm>>
    tpu.enqueue_dma source(%dma_start3A_191 : memref<80xi32, #tpu.memory_space<hbm>>) target(%dma_start3A_190 : memref<80xi32, #tpu.memory_space<vmem>>) target_semaphore(%dma_start3A_187 : memref<!tpu.dma_semaphore, #tpu.memory_space<semaphore_mem>>)
    %add3A_192 = arith.constant 560 : i32
    %add3A_193 = arith.addi %mul3A_2, %add3A_192 : i32
    %multiple_of3A_194 = tpu.assume_multiple %add3A_193, 8 : i32
    %dma_start3A_195 = arith.constant 7 : i32
    %dma_start3A_196 = arith.constant 7 : i32
    %dma_start3A_197 = arith.constant 0 : i32
    %dma_start3A_198 = tpu.memref_slice %arg7[%dma_start3A_195, %dma_start3A_197] : memref<8x80xi32, #tpu.memory_space<vmem>> -> memref<1x80xi32, #tpu.memory_space<vmem>>
    %dma_start3A_199 = tpu.memref_squeeze %dma_start3A_198 : memref<1x80xi32, #tpu.memory_space<vmem>> -> memref<80xi32, #tpu.memory_space<vmem>>
    %dma_start3A_200 = tpu.memref_slice %arg3[%multiple_of3A_194] : memref<320000xi32, #tpu.memory_space<hbm>> -> memref<80xi32, #tpu.memory_space<hbm>>
    %dma_start3A_201 = tpu.memref_slice %arg10[%dma_start3A_196] : memref<8x!tpu.dma_semaphore, #tpu.memory_space<semaphore_mem>> -> memref<1x!tpu.dma_semaphore, #tpu.memory_space<semaphore_mem>>
    %dma_start3A_202 = tpu.memref_squeeze %dma_start3A_201 : memref<1x!tpu.dma_semaphore, #tpu.memory_space<semaphore_mem>> -> memref<!tpu.dma_semaphore, #tpu.memory_space<semaphore_mem>>
    %dma_start3A_203 = arith.constant 0 : i32
    %dma_start3A_204 = tpu.memref_slice %arg7[%dma_start3A_195, %dma_start3A_203] : memref<8x80xi32, #tpu.memory_space<vmem>> -> memref<1x80xi32, #tpu.memory_space<vmem>>
    %dma_start3A_205 = tpu.memref_squeeze %dma_start3A_204 : memref<1x80xi32, #tpu.memory_space<vmem>> -> memref<80xi32, #tpu.memory_space<vmem>>
    %dma_start3A_206 = tpu.memref_slice %arg3[%multiple_of3A_194] : memref<320000xi32, #tpu.memory_space<hbm>> -> memref<80xi32, #tpu.memory_space<hbm>>
    tpu.enqueue_dma source(%dma_start3A_206 : memref<80xi32, #tpu.memory_space<hbm>>) target(%dma_start3A_205 : memref<80xi32, #tpu.memory_space<vmem>>) target_semaphore(%dma_start3A_202 : memref<!tpu.dma_semaphore, #tpu.memory_space<semaphore_mem>>)
    %dma_start3A_207 = arith.constant 7 : i32
    %dma_start3A_208 = arith.constant 7 : i32
    %dma_start3A_209 = arith.constant 0 : i32
    %dma_start3A_210 = tpu.memref_slice %arg8[%dma_start3A_207, %dma_start3A_209] : memref<8x80xi32, #tpu.memory_space<vmem>> -> memref<1x80xi32, #tpu.memory_space<vmem>>
    %dma_start3A_211 = tpu.memref_squeeze %dma_start3A_210 : memref<1x80xi32, #tpu.memory_space<vmem>> -> memref<80xi32, #tpu.memory_space<vmem>>
    %dma_start3A_212 = tpu.memref_slice %arg4[%multiple_of3A_194] : memref<320000xi32, #tpu.memory_space<hbm>> -> memref<80xi32, #tpu.memory_space<hbm>>
    %dma_start3A_213 = tpu.memref_slice %arg10[%dma_start3A_208] : memref<8x!tpu.dma_semaphore, #tpu.memory_space<semaphore_mem>> -> memref<1x!tpu.dma_semaphore, #tpu.memory_space<semaphore_mem>>
    %dma_start3A_214 = tpu.memref_squeeze %dma_start3A_213 : memref<1x!tpu.dma_semaphore, #tpu.memory_space<semaphore_mem>> -> memref<!tpu.dma_semaphore, #tpu.memory_space<semaphore_mem>>
    %dma_start3A_215 = arith.constant 0 : i32
    %dma_start3A_216 = tpu.memref_slice %arg8[%dma_start3A_207, %dma_start3A_215] : memref<8x80xi32, #tpu.memory_space<vmem>> -> memref<1x80xi32, #tpu.memory_space<vmem>>
    %dma_start3A_217 = tpu.memref_squeeze %dma_start3A_216 : memref<1x80xi32, #tpu.memory_space<vmem>> -> memref<80xi32, #tpu.memory_space<vmem>>
    %dma_start3A_218 = tpu.memref_slice %arg4[%multiple_of3A_194] : memref<320000xi32, #tpu.memory_space<hbm>> -> memref<80xi32, #tpu.memory_space<hbm>>
    tpu.enqueue_dma source(%dma_start3A_218 : memref<80xi32, #tpu.memory_space<hbm>>) target(%dma_start3A_217 : memref<80xi32, #tpu.memory_space<vmem>>) target_semaphore(%dma_start3A_214 : memref<!tpu.dma_semaphore, #tpu.memory_space<semaphore_mem>>)
    %add3A_219 = arith.constant 0 : i32
    %add3A_220 = arith.addi %mul3A_2, %add3A_219 : i32
    %multiple_of3A_221 = tpu.assume_multiple %add3A_220, 8 : i32
    %dma_wait3A = arith.constant 0 : i32
    %dma_wait3A_222 = arith.constant 0 : i32
    %dma_wait3A_223 = arith.constant 0 : i32
    %dma_wait3A_224 = tpu.memref_slice %arg7[%dma_wait3A, %dma_wait3A_223] : memref<8x80xi32, #tpu.memory_space<vmem>> -> memref<1x80xi32, #tpu.memory_space<vmem>>
    %dma_wait3A_225 = tpu.memref_squeeze %dma_wait3A_224 : memref<1x80xi32, #tpu.memory_space<vmem>> -> memref<80xi32, #tpu.memory_space<vmem>>
    %dma_wait3A_226 = tpu.memref_slice %arg3[%multiple_of3A_221] : memref<320000xi32, #tpu.memory_space<hbm>> -> memref<80xi32, #tpu.memory_space<hbm>>
    %dma_wait3A_227 = tpu.memref_slice %arg10[%dma_wait3A_222] : memref<8x!tpu.dma_semaphore, #tpu.memory_space<semaphore_mem>> -> memref<1x!tpu.dma_semaphore, #tpu.memory_space<semaphore_mem>>
    %dma_wait3A_228 = tpu.memref_squeeze %dma_wait3A_227 : memref<1x!tpu.dma_semaphore, #tpu.memory_space<semaphore_mem>> -> memref<!tpu.dma_semaphore, #tpu.memory_space<semaphore_mem>>
    %dma_wait3A_229 = arith.constant 0 : i32
    %dma_wait3A_230 = tpu.memref_slice %arg7[%dma_wait3A, %dma_wait3A_229] : memref<8x80xi32, #tpu.memory_space<vmem>> -> memref<1x80xi32, #tpu.memory_space<vmem>>
    %dma_wait3A_231 = tpu.memref_squeeze %dma_wait3A_230 : memref<1x80xi32, #tpu.memory_space<vmem>> -> memref<80xi32, #tpu.memory_space<vmem>>
    %dma_wait3A_232 = tpu.memref_slice %arg3[%multiple_of3A_221] : memref<320000xi32, #tpu.memory_space<hbm>> -> memref<80xi32, #tpu.memory_space<hbm>>
    tpu.wait_dma2 semaphore(%dma_wait3A_228 : memref<!tpu.dma_semaphore, #tpu.memory_space<semaphore_mem>>) src(%dma_wait3A_232 : memref<80xi32, #tpu.memory_space<hbm>>) dst(%dma_wait3A_231 : memref<80xi32, #tpu.memory_space<vmem>>)
    %dma_wait3A_233 = arith.constant 0 : i32
    %dma_wait3A_234 = arith.constant 0 : i32
    %dma_wait3A_235 = arith.constant 0 : i32
    %dma_wait3A_236 = tpu.memref_slice %arg8[%dma_wait3A_233, %dma_wait3A_235] : memref<8x80xi32, #tpu.memory_space<vmem>> -> memref<1x80xi32, #tpu.memory_space<vmem>>
    %dma_wait3A_237 = tpu.memref_squeeze %dma_wait3A_236 : memref<1x80xi32, #tpu.memory_space<vmem>> -> memref<80xi32, #tpu.memory_space<vmem>>
    %dma_wait3A_238 = tpu.memref_slice %arg4[%multiple_of3A_221] : memref<320000xi32, #tpu.memory_space<hbm>> -> memref<80xi32, #tpu.memory_space<hbm>>
    %dma_wait3A_239 = tpu.memref_slice %arg10[%dma_wait3A_234] : memref<8x!tpu.dma_semaphore, #tpu.memory_space<semaphore_mem>> -> memref<1x!tpu.dma_semaphore, #tpu.memory_space<semaphore_mem>>
    %dma_wait3A_240 = tpu.memref_squeeze %dma_wait3A_239 : memref<1x!tpu.dma_semaphore, #tpu.memory_space<semaphore_mem>> -> memref<!tpu.dma_semaphore, #tpu.memory_space<semaphore_mem>>
    %dma_wait3A_241 = arith.constant 0 : i32
    %dma_wait3A_242 = tpu.memref_slice %arg8[%dma_wait3A_233, %dma_wait3A_241] : memref<8x80xi32, #tpu.memory_space<vmem>> -> memref<1x80xi32, #tpu.memory_space<vmem>>
    %dma_wait3A_243 = tpu.memref_squeeze %dma_wait3A_242 : memref<1x80xi32, #tpu.memory_space<vmem>> -> memref<80xi32, #tpu.memory_space<vmem>>
    %dma_wait3A_244 = tpu.memref_slice %arg4[%multiple_of3A_221] : memref<320000xi32, #tpu.memory_space<hbm>> -> memref<80xi32, #tpu.memory_space<hbm>>
    tpu.wait_dma2 semaphore(%dma_wait3A_240 : memref<!tpu.dma_semaphore, #tpu.memory_space<semaphore_mem>>) src(%dma_wait3A_244 : memref<80xi32, #tpu.memory_space<hbm>>) dst(%dma_wait3A_243 : memref<80xi32, #tpu.memory_space<vmem>>)
    %dma_start3A_245 = arith.constant 0 : i32
    %dma_start3A_246 = arith.constant 0 : i32
    %dma_start3A_247 = arith.constant 0 : i32
    %dma_start3A_248 = arith.constant 0 : i32
    %dma_start3A_249 = arith.constant 0 : i32
    %dma_start3A_250 = tpu.memref_slice %arg9[%dma_start3A_246, %dma_start3A_248, %dma_start3A_249] : memref<4x80x128xf32, #tpu.memory_space<vmem>> -> memref<1x80x128xf32, #tpu.memory_space<vmem>>
    %dma_start3A_251 = tpu.memref_squeeze %dma_start3A_250 : memref<1x80x128xf32, #tpu.memory_space<vmem>> -> memref<80x128xf32, #tpu.memory_space<vmem>>
    %dma_start3A_252 = arith.constant 0 : i32
    %dma_start3A_253 = tpu.memref_slice %arg7[%dma_start3A_245, %dma_start3A_252] : memref<8x80xi32, #tpu.memory_space<vmem>> -> memref<1x80xi32, #tpu.memory_space<vmem>>
    %dma_start3A_254 = tpu.memref_squeeze %dma_start3A_253 : memref<1x80xi32, #tpu.memory_space<vmem>> -> memref<80xi32, #tpu.memory_space<vmem>>
    %dma_start3A_255 = arith.constant 0 : i32
    %dma_start3A_256 = arith.constant 0 : i32
    %dma_start3A_257 = tpu.memref_slice %arg2[%dma_start3A_255, %dma_start3A_256] : memref<10000x128xf32, #tpu.memory_space<hbm>> -> memref<10000x128xf32, #tpu.memory_space<hbm>>
    %dma_start3A_258 = tpu.memref_slice %arg11[%dma_start3A_247] : memref<4x!tpu.dma_semaphore, #tpu.memory_space<semaphore_mem>> -> memref<1x!tpu.dma_semaphore, #tpu.memory_space<semaphore_mem>>
    %dma_start3A_259 = tpu.memref_squeeze %dma_start3A_258 : memref<1x!tpu.dma_semaphore, #tpu.memory_space<semaphore_mem>> -> memref<!tpu.dma_semaphore, #tpu.memory_space<semaphore_mem>>
    tpu.enqueue_indirect_dma source(%dma_start3A_257 : memref<10000x128xf32, #tpu.memory_space<hbm>>) target(%dma_start3A_251 : memref<80x128xf32, #tpu.memory_space<vmem>>) offsets(%dma_start3A_254 : memref<80xi32, #tpu.memory_space<vmem>>) semaphore(%dma_start3A_259 : memref<!tpu.dma_semaphore, #tpu.memory_space<semaphore_mem>>)
    %add3A_260 = arith.constant 80 : i32
    %add3A_261 = arith.addi %mul3A_2, %add3A_260 : i32
    %multiple_of3A_262 = tpu.assume_multiple %add3A_261, 8 : i32
    %dma_wait3A_263 = arith.constant 1 : i32
    %dma_wait3A_264 = arith.constant 1 : i32
    %dma_wait3A_265 = arith.constant 0 : i32
    %dma_wait3A_266 = tpu.memref_slice %arg7[%dma_wait3A_263, %dma_wait3A_265] : memref<8x80xi32, #tpu.memory_space<vmem>> -> memref<1x80xi32, #tpu.memory_space<vmem>>
    %dma_wait3A_267 = tpu.memref_squeeze %dma_wait3A_266 : memref<1x80xi32, #tpu.memory_space<vmem>> -> memref<80xi32, #tpu.memory_space<vmem>>
    %dma_wait3A_268 = tpu.memref_slice %arg3[%multiple_of3A_262] : memref<320000xi32, #tpu.memory_space<hbm>> -> memref<80xi32, #tpu.memory_space<hbm>>
    %dma_wait3A_269 = tpu.memref_slice %arg10[%dma_wait3A_264] : memref<8x!tpu.dma_semaphore, #tpu.memory_space<semaphore_mem>> -> memref<1x!tpu.dma_semaphore, #tpu.memory_space<semaphore_mem>>
    %dma_wait3A_270 = tpu.memref_squeeze %dma_wait3A_269 : memref<1x!tpu.dma_semaphore, #tpu.memory_space<semaphore_mem>> -> memref<!tpu.dma_semaphore, #tpu.memory_space<semaphore_mem>>
    %dma_wait3A_271 = arith.constant 0 : i32
    %dma_wait3A_272 = tpu.memref_slice %arg7[%dma_wait3A_263, %dma_wait3A_271] : memref<8x80xi32, #tpu.memory_space<vmem>> -> memref<1x80xi32, #tpu.memory_space<vmem>>
    %dma_wait3A_273 = tpu.memref_squeeze %dma_wait3A_272 : memref<1x80xi32, #tpu.memory_space<vmem>> -> memref<80xi32, #tpu.memory_space<vmem>>
    %dma_wait3A_274 = tpu.memref_slice %arg3[%multiple_of3A_262] : memref<320000xi32, #tpu.memory_space<hbm>> -> memref<80xi32, #tpu.memory_space<hbm>>
    tpu.wait_dma2 semaphore(%dma_wait3A_270 : memref<!tpu.dma_semaphore, #tpu.memory_space<semaphore_mem>>) src(%dma_wait3A_274 : memref<80xi32, #tpu.memory_space<hbm>>) dst(%dma_wait3A_273 : memref<80xi32, #tpu.memory_space<vmem>>)
    %dma_wait3A_275 = arith.constant 1 : i32
    %dma_wait3A_276 = arith.constant 1 : i32
    %dma_wait3A_277 = arith.constant 0 : i32
    %dma_wait3A_278 = tpu.memref_slice %arg8[%dma_wait3A_275, %dma_wait3A_277] : memref<8x80xi32, #tpu.memory_space<vmem>> -> memref<1x80xi32, #tpu.memory_space<vmem>>
    %dma_wait3A_279 = tpu.memref_squeeze %dma_wait3A_278 : memref<1x80xi32, #tpu.memory_space<vmem>> -> memref<80xi32, #tpu.memory_space<vmem>>
    %dma_wait3A_280 = tpu.memref_slice %arg4[%multiple_of3A_262] : memref<320000xi32, #tpu.memory_space<hbm>> -> memref<80xi32, #tpu.memory_space<hbm>>
    %dma_wait3A_281 = tpu.memref_slice %arg10[%dma_wait3A_276] : memref<8x!tpu.dma_semaphore, #tpu.memory_space<semaphore_mem>> -> memref<1x!tpu.dma_semaphore, #tpu.memory_space<semaphore_mem>>
    %dma_wait3A_282 = tpu.memref_squeeze %dma_wait3A_281 : memref<1x!tpu.dma_semaphore, #tpu.memory_space<semaphore_mem>> -> memref<!tpu.dma_semaphore, #tpu.memory_space<semaphore_mem>>
    %dma_wait3A_283 = arith.constant 0 : i32
    %dma_wait3A_284 = tpu.memref_slice %arg8[%dma_wait3A_275, %dma_wait3A_283] : memref<8x80xi32, #tpu.memory_space<vmem>> -> memref<1x80xi32, #tpu.memory_space<vmem>>
    %dma_wait3A_285 = tpu.memref_squeeze %dma_wait3A_284 : memref<1x80xi32, #tpu.memory_space<vmem>> -> memref<80xi32, #tpu.memory_space<vmem>>
    %dma_wait3A_286 = tpu.memref_slice %arg4[%multiple_of3A_262] : memref<320000xi32, #tpu.memory_space<hbm>> -> memref<80xi32, #tpu.memory_space<hbm>>
    tpu.wait_dma2 semaphore(%dma_wait3A_282 : memref<!tpu.dma_semaphore, #tpu.memory_space<semaphore_mem>>) src(%dma_wait3A_286 : memref<80xi32, #tpu.memory_space<hbm>>) dst(%dma_wait3A_285 : memref<80xi32, #tpu.memory_space<vmem>>)
    %dma_start3A_287 = arith.constant 1 : i32
    %dma_start3A_288 = arith.constant 1 : i32
    %dma_start3A_289 = arith.constant 1 : i32
    %dma_start3A_290 = arith.constant 0 : i32
    %dma_start3A_291 = arith.constant 0 : i32
    %dma_start3A_292 = tpu.memref_slice %arg9[%dma_start3A_288, %dma_start3A_290, %dma_start3A_291] : memref<4x80x128xf32, #tpu.memory_space<vmem>> -> memref<1x80x128xf32, #tpu.memory_space<vmem>>
    %dma_start3A_293 = tpu.memref_squeeze %dma_start3A_292 : memref<1x80x128xf32, #tpu.memory_space<vmem>> -> memref<80x128xf32, #tpu.memory_space<vmem>>
    %dma_start3A_294 = arith.constant 0 : i32
    %dma_start3A_295 = tpu.memref_slice %arg7[%dma_start3A_287, %dma_start3A_294] : memref<8x80xi32, #tpu.memory_space<vmem>> -> memref<1x80xi32, #tpu.memory_space<vmem>>
    %dma_start3A_296 = tpu.memref_squeeze %dma_start3A_295 : memref<1x80xi32, #tpu.memory_space<vmem>> -> memref<80xi32, #tpu.memory_space<vmem>>
    %dma_start3A_297 = arith.constant 0 : i32
    %dma_start3A_298 = arith.constant 0 : i32
    %dma_start3A_299 = tpu.memref_slice %arg2[%dma_start3A_297, %dma_start3A_298] : memref<10000x128xf32, #tpu.memory_space<hbm>> -> memref<10000x128xf32, #tpu.memory_space<hbm>>
    %dma_start3A_300 = tpu.memref_slice %arg11[%dma_start3A_289] : memref<4x!tpu.dma_semaphore, #tpu.memory_space<semaphore_mem>> -> memref<1x!tpu.dma_semaphore, #tpu.memory_space<semaphore_mem>>
    %dma_start3A_301 = tpu.memref_squeeze %dma_start3A_300 : memref<1x!tpu.dma_semaphore, #tpu.memory_space<semaphore_mem>> -> memref<!tpu.dma_semaphore, #tpu.memory_space<semaphore_mem>>
    tpu.enqueue_indirect_dma source(%dma_start3A_299 : memref<10000x128xf32, #tpu.memory_space<hbm>>) target(%dma_start3A_293 : memref<80x128xf32, #tpu.memory_space<vmem>>) offsets(%dma_start3A_296 : memref<80xi32, #tpu.memory_space<vmem>>) semaphore(%dma_start3A_301 : memref<!tpu.dma_semaphore, #tpu.memory_space<semaphore_mem>>)
    %add3A_302 = arith.constant 160 : i32
    %add3A_303 = arith.addi %mul3A_2, %add3A_302 : i32
    %multiple_of3A_304 = tpu.assume_multiple %add3A_303, 8 : i32
    %dma_wait3A_305 = arith.constant 2 : i32
    %dma_wait3A_306 = arith.constant 2 : i32
    %dma_wait3A_307 = arith.constant 0 : i32
    %dma_wait3A_308 = tpu.memref_slice %arg7[%dma_wait3A_305, %dma_wait3A_307] : memref<8x80xi32, #tpu.memory_space<vmem>> -> memref<1x80xi32, #tpu.memory_space<vmem>>
    %dma_wait3A_309 = tpu.memref_squeeze %dma_wait3A_308 : memref<1x80xi32, #tpu.memory_space<vmem>> -> memref<80xi32, #tpu.memory_space<vmem>>
    %dma_wait3A_310 = tpu.memref_slice %arg3[%multiple_of3A_304] : memref<320000xi32, #tpu.memory_space<hbm>> -> memref<80xi32, #tpu.memory_space<hbm>>
    %dma_wait3A_311 = tpu.memref_slice %arg10[%dma_wait3A_306] : memref<8x!tpu.dma_semaphore, #tpu.memory_space<semaphore_mem>> -> memref<1x!tpu.dma_semaphore, #tpu.memory_space<semaphore_mem>>
    %dma_wait3A_312 = tpu.memref_squeeze %dma_wait3A_311 : memref<1x!tpu.dma_semaphore, #tpu.memory_space<semaphore_mem>> -> memref<!tpu.dma_semaphore, #tpu.memory_space<semaphore_mem>>
    %dma_wait3A_313 = arith.constant 0 : i32
    %dma_wait3A_314 = tpu.memref_slice %arg7[%dma_wait3A_305, %dma_wait3A_313] : memref<8x80xi32, #tpu.memory_space<vmem>> -> memref<1x80xi32, #tpu.memory_space<vmem>>
    %dma_wait3A_315 = tpu.memref_squeeze %dma_wait3A_314 : memref<1x80xi32, #tpu.memory_space<vmem>> -> memref<80xi32, #tpu.memory_space<vmem>>
    %dma_wait3A_316 = tpu.memref_slice %arg3[%multiple_of3A_304] : memref<320000xi32, #tpu.memory_space<hbm>> -> memref<80xi32, #tpu.memory_space<hbm>>
    tpu.wait_dma2 semaphore(%dma_wait3A_312 : memref<!tpu.dma_semaphore, #tpu.memory_space<semaphore_mem>>) src(%dma_wait3A_316 : memref<80xi32, #tpu.memory_space<hbm>>) dst(%dma_wait3A_315 : memref<80xi32, #tpu.memory_space<vmem>>)
    %dma_wait3A_317 = arith.constant 2 : i32
    %dma_wait3A_318 = arith.constant 2 : i32
    %dma_wait3A_319 = arith.constant 0 : i32
    %dma_wait3A_320 = tpu.memref_slice %arg8[%dma_wait3A_317, %dma_wait3A_319] : memref<8x80xi32, #tpu.memory_space<vmem>> -> memref<1x80xi32, #tpu.memory_space<vmem>>
    %dma_wait3A_321 = tpu.memref_squeeze %dma_wait3A_320 : memref<1x80xi32, #tpu.memory_space<vmem>> -> memref<80xi32, #tpu.memory_space<vmem>>
    %dma_wait3A_322 = tpu.memref_slice %arg4[%multiple_of3A_304] : memref<320000xi32, #tpu.memory_space<hbm>> -> memref<80xi32, #tpu.memory_space<hbm>>
    %dma_wait3A_323 = tpu.memref_slice %arg10[%dma_wait3A_318] : memref<8x!tpu.dma_semaphore, #tpu.memory_space<semaphore_mem>> -> memref<1x!tpu.dma_semaphore, #tpu.memory_space<semaphore_mem>>
    %dma_wait3A_324 = tpu.memref_squeeze %dma_wait3A_323 : memref<1x!tpu.dma_semaphore, #tpu.memory_space<semaphore_mem>> -> memref<!tpu.dma_semaphore, #tpu.memory_space<semaphore_mem>>
    %dma_wait3A_325 = arith.constant 0 : i32
    %dma_wait3A_326 = tpu.memref_slice %arg8[%dma_wait3A_317, %dma_wait3A_325] : memref<8x80xi32, #tpu.memory_space<vmem>> -> memref<1x80xi32, #tpu.memory_space<vmem>>
    %dma_wait3A_327 = tpu.memref_squeeze %dma_wait3A_326 : memref<1x80xi32, #tpu.memory_space<vmem>> -> memref<80xi32, #tpu.memory_space<vmem>>
    %dma_wait3A_328 = tpu.memref_slice %arg4[%multiple_of3A_304] : memref<320000xi32, #tpu.memory_space<hbm>> -> memref<80xi32, #tpu.memory_space<hbm>>
    tpu.wait_dma2 semaphore(%dma_wait3A_324 : memref<!tpu.dma_semaphore, #tpu.memory_space<semaphore_mem>>) src(%dma_wait3A_328 : memref<80xi32, #tpu.memory_space<hbm>>) dst(%dma_wait3A_327 : memref<80xi32, #tpu.memory_space<vmem>>)
    %dma_start3A_329 = arith.constant 2 : i32
    %dma_start3A_330 = arith.constant 2 : i32
    %dma_start3A_331 = arith.constant 2 : i32
    %dma_start3A_332 = arith.constant 0 : i32
    %dma_start3A_333 = arith.constant 0 : i32
    %dma_start3A_334 = tpu.memref_slice %arg9[%dma_start3A_330, %dma_start3A_332, %dma_start3A_333] : memref<4x80x128xf32, #tpu.memory_space<vmem>> -> memref<1x80x128xf32, #tpu.memory_space<vmem>>
    %dma_start3A_335 = tpu.memref_squeeze %dma_start3A_334 : memref<1x80x128xf32, #tpu.memory_space<vmem>> -> memref<80x128xf32, #tpu.memory_space<vmem>>
    %dma_start3A_336 = arith.constant 0 : i32
    %dma_start3A_337 = tpu.memref_slice %arg7[%dma_start3A_329, %dma_start3A_336] : memref<8x80xi32, #tpu.memory_space<vmem>> -> memref<1x80xi32, #tpu.memory_space<vmem>>
    %dma_start3A_338 = tpu.memref_squeeze %dma_start3A_337 : memref<1x80xi32, #tpu.memory_space<vmem>> -> memref<80xi32, #tpu.memory_space<vmem>>
    %dma_start3A_339 = arith.constant 0 : i32
    %dma_start3A_340 = arith.constant 0 : i32
    %dma_start3A_341 = tpu.memref_slice %arg2[%dma_start3A_339, %dma_start3A_340] : memref<10000x128xf32, #tpu.memory_space<hbm>> -> memref<10000x128xf32, #tpu.memory_space<hbm>>
    %dma_start3A_342 = tpu.memref_slice %arg11[%dma_start3A_331] : memref<4x!tpu.dma_semaphore, #tpu.memory_space<semaphore_mem>> -> memref<1x!tpu.dma_semaphore, #tpu.memory_space<semaphore_mem>>
    %dma_start3A_343 = tpu.memref_squeeze %dma_start3A_342 : memref<1x!tpu.dma_semaphore, #tpu.memory_space<semaphore_mem>> -> memref<!tpu.dma_semaphore, #tpu.memory_space<semaphore_mem>>
    tpu.enqueue_indirect_dma source(%dma_start3A_341 : memref<10000x128xf32, #tpu.memory_space<hbm>>) target(%dma_start3A_335 : memref<80x128xf32, #tpu.memory_space<vmem>>) offsets(%dma_start3A_338 : memref<80xi32, #tpu.memory_space<vmem>>) semaphore(%dma_start3A_343 : memref<!tpu.dma_semaphore, #tpu.memory_space<semaphore_mem>>)
    %add3A_344 = arith.constant 240 : i32
    %add3A_345 = arith.addi %mul3A_2, %add3A_344 : i32
    %multiple_of3A_346 = tpu.assume_multiple %add3A_345, 8 : i32
    %dma_wait3A_347 = arith.constant 3 : i32
    %dma_wait3A_348 = arith.constant 3 : i32
    %dma_wait3A_349 = arith.constant 0 : i32
    %dma_wait3A_350 = tpu.memref_slice %arg7[%dma_wait3A_347, %dma_wait3A_349] : memref<8x80xi32, #tpu.memory_space<vmem>> -> memref<1x80xi32, #tpu.memory_space<vmem>>
    %dma_wait3A_351 = tpu.memref_squeeze %dma_wait3A_350 : memref<1x80xi32, #tpu.memory_space<vmem>> -> memref<80xi32, #tpu.memory_space<vmem>>
    %dma_wait3A_352 = tpu.memref_slice %arg3[%multiple_of3A_346] : memref<320000xi32, #tpu.memory_space<hbm>> -> memref<80xi32, #tpu.memory_space<hbm>>
    %dma_wait3A_353 = tpu.memref_slice %arg10[%dma_wait3A_348] : memref<8x!tpu.dma_semaphore, #tpu.memory_space<semaphore_mem>> -> memref<1x!tpu.dma_semaphore, #tpu.memory_space<semaphore_mem>>
    %dma_wait3A_354 = tpu.memref_squeeze %dma_wait3A_353 : memref<1x!tpu.dma_semaphore, #tpu.memory_space<semaphore_mem>> -> memref<!tpu.dma_semaphore, #tpu.memory_space<semaphore_mem>>
    %dma_wait3A_355 = arith.constant 0 : i32
    %dma_wait3A_356 = tpu.memref_slice %arg7[%dma_wait3A_347, %dma_wait3A_355] : memref<8x80xi32, #tpu.memory_space<vmem>> -> memref<1x80xi32, #tpu.memory_space<vmem>>
    %dma_wait3A_357 = tpu.memref_squeeze %dma_wait3A_356 : memref<1x80xi32, #tpu.memory_space<vmem>> -> memref<80xi32, #tpu.memory_space<vmem>>
    %dma_wait3A_358 = tpu.memref_slice %arg3[%multiple_of3A_346] : memref<320000xi32, #tpu.memory_space<hbm>> -> memref<80xi32, #tpu.memory_space<hbm>>
    tpu.wait_dma2 semaphore(%dma_wait3A_354 : memref<!tpu.dma_semaphore, #tpu.memory_space<semaphore_mem>>) src(%dma_wait3A_358 : memref<80xi32, #tpu.memory_space<hbm>>) dst(%dma_wait3A_357 : memref<80xi32, #tpu.memory_space<vmem>>)
    %dma_wait3A_359 = arith.constant 3 : i32
    %dma_wait3A_360 = arith.constant 3 : i32
    %dma_wait3A_361 = arith.constant 0 : i32
    %dma_wait3A_362 = tpu.memref_slice %arg8[%dma_wait3A_359, %dma_wait3A_361] : memref<8x80xi32, #tpu.memory_space<vmem>> -> memref<1x80xi32, #tpu.memory_space<vmem>>
    %dma_wait3A_363 = tpu.memref_squeeze %dma_wait3A_362 : memref<1x80xi32, #tpu.memory_space<vmem>> -> memref<80xi32, #tpu.memory_space<vmem>>
    %dma_wait3A_364 = tpu.memref_slice %arg4[%multiple_of3A_346] : memref<320000xi32, #tpu.memory_space<hbm>> -> memref<80xi32, #tpu.memory_space<hbm>>
    %dma_wait3A_365 = tpu.memref_slice %arg10[%dma_wait3A_360] : memref<8x!tpu.dma_semaphore, #tpu.memory_space<semaphore_mem>> -> memref<1x!tpu.dma_semaphore, #tpu.memory_space<semaphore_mem>>
    %dma_wait3A_366 = tpu.memref_squeeze %dma_wait3A_365 : memref<1x!tpu.dma_semaphore, #tpu.memory_space<semaphore_mem>> -> memref<!tpu.dma_semaphore, #tpu.memory_space<semaphore_mem>>
    %dma_wait3A_367 = arith.constant 0 : i32
    %dma_wait3A_368 = tpu.memref_slice %arg8[%dma_wait3A_359, %dma_wait3A_367] : memref<8x80xi32, #tpu.memory_space<vmem>> -> memref<1x80xi32, #tpu.memory_space<vmem>>
    %dma_wait3A_369 = tpu.memref_squeeze %dma_wait3A_368 : memref<1x80xi32, #tpu.memory_space<vmem>> -> memref<80xi32, #tpu.memory_space<vmem>>
    %dma_wait3A_370 = tpu.memref_slice %arg4[%multiple_of3A_346] : memref<320000xi32, #tpu.memory_space<hbm>> -> memref<80xi32, #tpu.memory_space<hbm>>
    tpu.wait_dma2 semaphore(%dma_wait3A_366 : memref<!tpu.dma_semaphore, #tpu.memory_space<semaphore_mem>>) src(%dma_wait3A_370 : memref<80xi32, #tpu.memory_space<hbm>>) dst(%dma_wait3A_369 : memref<80xi32, #tpu.memory_space<vmem>>)
    %dma_start3A_371 = arith.constant 3 : i32
    %dma_start3A_372 = arith.constant 3 : i32
    %dma_start3A_373 = arith.constant 3 : i32
    %dma_start3A_374 = arith.constant 0 : i32
    %dma_start3A_375 = arith.constant 0 : i32
    %dma_start3A_376 = tpu.memref_slice %arg9[%dma_start3A_372, %dma_start3A_374, %dma_start3A_375] : memref<4x80x128xf32, #tpu.memory_space<vmem>> -> memref<1x80x128xf32, #tpu.memory_space<vmem>>
    %dma_start3A_377 = tpu.memref_squeeze %dma_start3A_376 : memref<1x80x128xf32, #tpu.memory_space<vmem>> -> memref<80x128xf32, #tpu.memory_space<vmem>>
    %dma_start3A_378 = arith.constant 0 : i32
    %dma_start3A_379 = tpu.memref_slice %arg7[%dma_start3A_371, %dma_start3A_378] : memref<8x80xi32, #tpu.memory_space<vmem>> -> memref<1x80xi32, #tpu.memory_space<vmem>>
    %dma_start3A_380 = tpu.memref_squeeze %dma_start3A_379 : memref<1x80xi32, #tpu.memory_space<vmem>> -> memref<80xi32, #tpu.memory_space<vmem>>
    %dma_start3A_381 = arith.constant 0 : i32
    %dma_start3A_382 = arith.constant 0 : i32
    %dma_start3A_383 = tpu.memref_slice %arg2[%dma_start3A_381, %dma_start3A_382] : memref<10000x128xf32, #tpu.memory_space<hbm>> -> memref<10000x128xf32, #tpu.memory_space<hbm>>
    %dma_start3A_384 = tpu.memref_slice %arg11[%dma_start3A_373] : memref<4x!tpu.dma_semaphore, #tpu.memory_space<semaphore_mem>> -> memref<1x!tpu.dma_semaphore, #tpu.memory_space<semaphore_mem>>
    %dma_start3A_385 = tpu.memref_squeeze %dma_start3A_384 : memref<1x!tpu.dma_semaphore, #tpu.memory_space<semaphore_mem>> -> memref<!tpu.dma_semaphore, #tpu.memory_space<semaphore_mem>>
    tpu.enqueue_indirect_dma source(%dma_start3A_383 : memref<10000x128xf32, #tpu.memory_space<hbm>>) target(%dma_start3A_377 : memref<80x128xf32, #tpu.memory_space<vmem>>) offsets(%dma_start3A_380 : memref<80xi32, #tpu.memory_space<vmem>>) semaphore(%dma_start3A_385 : memref<!tpu.dma_semaphore, #tpu.memory_space<semaphore_mem>>)
    %barrier3A = arith.constant 0 : index
    tpu.barrier barrier_id(%barrier3A)
    %scan3A = arith.constant 0 : i32
    %scan3A_386 = arith.constant 0 : i32
    %scan3A_387 = arith.constant 125 : i32
    %scan3A_388 = arith.addi %scan3A_386, %scan3A_387 : i32
    %scan3A_389 = arith.constant 1 : i32
    scf.for %scan3A_394 = %scan3A_386 to %scan3A_388 step %scan3A_389  : i32 {
      %rem3A = arith.constant 4 : i32
      %rem3A_395 = arith.remsi %scan3A_394, %rem3A : i32
      %rem3A_396 = arith.constant 8 : i32
      %rem3A_397 = arith.remsi %scan3A_394, %rem3A_396 : i32
      %mul3A_398 = arith.constant 80 : i32
      %mul3A_399 = arith.muli %scan3A_394, %mul3A_398 : i32
      %add3A_400 = arith.addi %mul3A_2, %mul3A_399 : i32
      %multiple_of3A_401 = tpu.assume_multiple %add3A_400, 8 : i32
      %dma_wait3A_402 = arith.constant 0 : i32
      %dma_wait3A_403 = arith.constant 0 : i32
      %dma_wait3A_404 = tpu.memref_slice %arg9[%rem3A_395, %dma_wait3A_402, %dma_wait3A_403] : memref<4x80x128xf32, #tpu.memory_space<vmem>> -> memref<1x80x128xf32, #tpu.memory_space<vmem>>
      %dma_wait3A_405 = tpu.memref_squeeze %dma_wait3A_404 : memref<1x80x128xf32, #tpu.memory_space<vmem>> -> memref<80x128xf32, #tpu.memory_space<vmem>>
      %dma_wait3A_406 = arith.constant 0 : i32
      %dma_wait3A_407 = tpu.memref_slice %arg7[%rem3A_397, %dma_wait3A_406] : memref<8x80xi32, #tpu.memory_space<vmem>> -> memref<1x80xi32, #tpu.memory_space<vmem>>
      %dma_wait3A_408 = tpu.memref_squeeze %dma_wait3A_407 : memref<1x80xi32, #tpu.memory_space<vmem>> -> memref<80xi32, #tpu.memory_space<vmem>>
      %dma_wait3A_409 = arith.constant 0 : i32
      %dma_wait3A_410 = arith.constant 0 : i32
      %dma_wait3A_411 = tpu.memref_slice %arg2[%dma_wait3A_409, %dma_wait3A_410] : memref<10000x128xf32, #tpu.memory_space<hbm>> -> memref<10000x128xf32, #tpu.memory_space<hbm>>
      %dma_wait3A_412 = tpu.memref_slice %arg11[%rem3A_395] : memref<4x!tpu.dma_semaphore, #tpu.memory_space<semaphore_mem>> -> memref<1x!tpu.dma_semaphore, #tpu.memory_space<semaphore_mem>>
      %dma_wait3A_413 = tpu.memref_squeeze %dma_wait3A_412 : memref<1x!tpu.dma_semaphore, #tpu.memory_space<semaphore_mem>> -> memref<!tpu.dma_semaphore, #tpu.memory_space<semaphore_mem>>
      tpu.wait_indirect_dma semaphore(%dma_wait3A_413 : memref<!tpu.dma_semaphore, #tpu.memory_space<semaphore_mem>>) src(%dma_wait3A_411 : memref<10000x128xf32, #tpu.memory_space<hbm>>) dst(%dma_wait3A_405 : memref<80x128xf32, #tpu.memory_space<vmem>>)
      "tpu.region"() ({
        %run_scoped3A = tpu.sem_alloc : memref<!tpu.dma_semaphore, #tpu.memory_space<semaphore_mem>>
        %dma_start3A_425 = arith.constant 0 : i32
        %dma_start3A_426 = arith.constant 0 : i32
        %dma_start3A_427 = tpu.memref_slice %arg9[%rem3A_395, %dma_start3A_425, %dma_start3A_426] : memref<4x80x128xf32, #tpu.memory_space<vmem>> -> memref<1x80x128xf32, #tpu.memory_space<vmem>>
        %dma_start3A_428 = tpu.memref_squeeze %dma_start3A_427 : memref<1x80x128xf32, #tpu.memory_space<vmem>> -> memref<80x128xf32, #tpu.memory_space<vmem>>
        %dma_start3A_429 = arith.constant 0 : i32
        %dma_start3A_430 = tpu.memref_slice %arg8[%rem3A_397, %dma_start3A_429] : memref<8x80xi32, #tpu.memory_space<vmem>> -> memref<1x80xi32, #tpu.memory_space<vmem>>
        %dma_start3A_431 = tpu.memref_squeeze %dma_start3A_430 : memref<1x80xi32, #tpu.memory_space<vmem>> -> memref<80xi32, #tpu.memory_space<vmem>>
        %dma_start3A_432 = arith.constant 0 : i32
        %dma_start3A_433 = arith.constant 0 : i32
        %dma_start3A_434 = tpu.memref_slice %arg12[%dma_start3A_432, %dma_start3A_433] : memref<10000x128xf32, #tpu.memory_space<vmem_shared>> -> memref<10000x128xf32, #tpu.memory_space<vmem_shared>>
        tpu.enqueue_indirect_dma source(%dma_start3A_428 : memref<80x128xf32, #tpu.memory_space<vmem>>) target(%dma_start3A_434 : memref<10000x128xf32, #tpu.memory_space<vmem_shared>>) offsets(%dma_start3A_431 : memref<80xi32, #tpu.memory_space<vmem>>) semaphore(%run_scoped3A : memref<!tpu.dma_semaphore, #tpu.memory_space<semaphore_mem>>) {add = true}
        %dma_wait3A_435 = arith.constant 0 : i32
        %dma_wait3A_436 = arith.constant 0 : i32
        %dma_wait3A_437 = tpu.memref_slice %arg9[%rem3A_395, %dma_wait3A_435, %dma_wait3A_436] : memref<4x80x128xf32, #tpu.memory_space<vmem>> -> memref<1x80x128xf32, #tpu.memory_space<vmem>>
        %dma_wait3A_438 = tpu.memref_squeeze %dma_wait3A_437 : memref<1x80x128xf32, #tpu.memory_space<vmem>> -> memref<80x128xf32, #tpu.memory_space<vmem>>
        %dma_wait3A_439 = arith.constant 0 : i32
        %dma_wait3A_440 = tpu.memref_slice %arg8[%rem3A_397, %dma_wait3A_439] : memref<8x80xi32, #tpu.memory_space<vmem>> -> memref<1x80xi32, #tpu.memory_space<vmem>>
        %dma_wait3A_441 = tpu.memref_squeeze %dma_wait3A_440 : memref<1x80xi32, #tpu.memory_space<vmem>> -> memref<80xi32, #tpu.memory_space<vmem>>
        %dma_wait3A_442 = arith.constant 0 : i32
        %dma_wait3A_443 = arith.constant 0 : i32
        %dma_wait3A_444 = tpu.memref_slice %arg12[%dma_wait3A_442, %dma_wait3A_443] : memref<10000x128xf32, #tpu.memory_space<vmem_shared>> -> memref<10000x128xf32, #tpu.memory_space<vmem_shared>>
        tpu.wait_indirect_dma semaphore(%run_scoped3A : memref<!tpu.dma_semaphore, #tpu.memory_space<semaphore_mem>>) src(%dma_wait3A_438 : memref<80x128xf32, #tpu.memory_space<vmem>>) dst(%dma_wait3A_444 : memref<10000x128xf32, #tpu.memory_space<vmem_shared>>)
        tpu.yield
      }) : () -> ()
      %add3A_414 = arith.constant 4 : i32
      %add3A_415 = arith.addi %scan3A_394, %add3A_414 : i32
      %lt3A = arith.constant 125 : i32
      %lt3A_416 = arith.cmpi slt, %add3A_415, %lt3A : i32
      %convert_element_type3A = arith.extui %lt3A_416 : i1 to i32
      %cond3A = arith.constant 0 : i32
      %cond3A_417 = arith.cmpi ne, %convert_element_type3A, %cond3A : i32
      scf.if %cond3A_417 {
        %rem3A_425 = arith.constant 8 : i32
        %rem3A_426 = arith.remsi %add3A_415, %rem3A_425 : i32
        %mul3A_427 = arith.constant 80 : i32
        %mul3A_428 = arith.muli %add3A_415, %mul3A_427 : i32
        %add3A_429 = arith.addi %mul3A_2, %mul3A_428 : i32
        %multiple_of3A_430 = tpu.assume_multiple %add3A_429, 8 : i32
        %dma_wait3A_431 = arith.constant 0 : i32
        %dma_wait3A_432 = tpu.memref_slice %arg7[%rem3A_426, %dma_wait3A_431] : memref<8x80xi32, #tpu.memory_space<vmem>> -> memref<1x80xi32, #tpu.memory_space<vmem>>
        %dma_wait3A_433 = tpu.memref_squeeze %dma_wait3A_432 : memref<1x80xi32, #tpu.memory_space<vmem>> -> memref<80xi32, #tpu.memory_space<vmem>>
        %dma_wait3A_434 = tpu.memref_slice %arg3[%multiple_of3A_430] : memref<320000xi32, #tpu.memory_space<hbm>> -> memref<80xi32, #tpu.memory_space<hbm>>
        %dma_wait3A_435 = tpu.memref_slice %arg10[%rem3A_426] : memref<8x!tpu.dma_semaphore, #tpu.memory_space<semaphore_mem>> -> memref<1x!tpu.dma_semaphore, #tpu.memory_space<semaphore_mem>>
        %dma_wait3A_436 = tpu.memref_squeeze %dma_wait3A_435 : memref<1x!tpu.dma_semaphore, #tpu.memory_space<semaphore_mem>> -> memref<!tpu.dma_semaphore, #tpu.memory_space<semaphore_mem>>
        %dma_wait3A_437 = arith.constant 0 : i32
        %dma_wait3A_438 = tpu.memref_slice %arg7[%rem3A_426, %dma_wait3A_437] : memref<8x80xi32, #tpu.memory_space<vmem>> -> memref<1x80xi32, #tpu.memory_space<vmem>>
        %dma_wait3A_439 = tpu.memref_squeeze %dma_wait3A_438 : memref<1x80xi32, #tpu.memory_space<vmem>> -> memref<80xi32, #tpu.memory_space<vmem>>
        %dma_wait3A_440 = tpu.memref_slice %arg3[%multiple_of3A_430] : memref<320000xi32, #tpu.memory_space<hbm>> -> memref<80xi32, #tpu.memory_space<hbm>>
        tpu.wait_dma2 semaphore(%dma_wait3A_436 : memref<!tpu.dma_semaphore, #tpu.memory_space<semaphore_mem>>) src(%dma_wait3A_440 : memref<80xi32, #tpu.memory_space<hbm>>) dst(%dma_wait3A_439 : memref<80xi32, #tpu.memory_space<vmem>>)
        %dma_wait3A_441 = arith.constant 0 : i32
        %dma_wait3A_442 = tpu.memref_slice %arg8[%rem3A_426, %dma_wait3A_441] : memref<8x80xi32, #tpu.memory_space<vmem>> -> memref<1x80xi32, #tpu.memory_space<vmem>>
        %dma_wait3A_443 = tpu.memref_squeeze %dma_wait3A_442 : memref<1x80xi32, #tpu.memory_space<vmem>> -> memref<80xi32, #tpu.memory_space<vmem>>
        %dma_wait3A_444 = tpu.memref_slice %arg4[%multiple_of3A_430] : memref<320000xi32, #tpu.memory_space<hbm>> -> memref<80xi32, #tpu.memory_space<hbm>>
        %dma_wait3A_445 = tpu.memref_slice %arg10[%rem3A_426] : memref<8x!tpu.dma_semaphore, #tpu.memory_space<semaphore_mem>> -> memref<1x!tpu.dma_semaphore, #tpu.memory_space<semaphore_mem>>
        %dma_wait3A_446 = tpu.memref_squeeze %dma_wait3A_445 : memref<1x!tpu.dma_semaphore, #tpu.memory_space<semaphore_mem>> -> memref<!tpu.dma_semaphore, #tpu.memory_space<semaphore_mem>>
        %dma_wait3A_447 = arith.constant 0 : i32
        %dma_wait3A_448 = tpu.memref_slice %arg8[%rem3A_426, %dma_wait3A_447] : memref<8x80xi32, #tpu.memory_space<vmem>> -> memref<1x80xi32, #tpu.memory_space<vmem>>
        %dma_wait3A_449 = tpu.memref_squeeze %dma_wait3A_448 : memref<1x80xi32, #tpu.memory_space<vmem>> -> memref<80xi32, #tpu.memory_space<vmem>>
        %dma_wait3A_450 = tpu.memref_slice %arg4[%multiple_of3A_430] : memref<320000xi32, #tpu.memory_space<hbm>> -> memref<80xi32, #tpu.memory_space<hbm>>
        tpu.wait_dma2 semaphore(%dma_wait3A_446 : memref<!tpu.dma_semaphore, #tpu.memory_space<semaphore_mem>>) src(%dma_wait3A_450 : memref<80xi32, #tpu.memory_space<hbm>>) dst(%dma_wait3A_449 : memref<80xi32, #tpu.memory_space<vmem>>)
        %dma_start3A_451 = arith.constant 0 : i32
        %dma_start3A_452 = arith.constant 0 : i32
        %dma_start3A_453 = tpu.memref_slice %arg9[%rem3A_395, %dma_start3A_451, %dma_start3A_452] : memref<4x80x128xf32, #tpu.memory_space<vmem>> -> memref<1x80x128xf32, #tpu.memory_space<vmem>>
        %dma_start3A_454 = tpu.memref_squeeze %dma_start3A_453 : memref<1x80x128xf32, #tpu.memory_space<vmem>> -> memref<80x128xf32, #tpu.memory_space<vmem>>
        %dma_start3A_455 = arith.constant 0 : i32
        %dma_start3A_456 = tpu.memref_slice %arg7[%rem3A_426, %dma_start3A_455] : memref<8x80xi32, #tpu.memory_space<vmem>> -> memref<1x80xi32, #tpu.memory_space<vmem>>
        %dma_start3A_457 = tpu.memref_squeeze %dma_start3A_456 : memref<1x80xi32, #tpu.memory_space<vmem>> -> memref<80xi32, #tpu.memory_space<vmem>>
        %dma_start3A_458 = arith.constant 0 : i32
        %dma_start3A_459 = arith.constant 0 : i32
        %dma_start3A_460 = tpu.memref_slice %arg2[%dma_start3A_458, %dma_start3A_459] : memref<10000x128xf32, #tpu.memory_space<hbm>> -> memref<10000x128xf32, #tpu.memory_space<hbm>>
        %dma_start3A_461 = tpu.memref_slice %arg11[%rem3A_395] : memref<4x!tpu.dma_semaphore, #tpu.memory_space<semaphore_mem>> -> memref<1x!tpu.dma_semaphore, #tpu.memory_space<semaphore_mem>>
        %dma_start3A_462 = tpu.memref_squeeze %dma_start3A_461 : memref<1x!tpu.dma_semaphore, #tpu.memory_space<semaphore_mem>> -> memref<!tpu.dma_semaphore, #tpu.memory_space<semaphore_mem>>
        tpu.enqueue_indirect_dma source(%dma_start3A_460 : memref<10000x128xf32, #tpu.memory_space<hbm>>) target(%dma_start3A_454 : memref<80x128xf32, #tpu.memory_space<vmem>>) offsets(%dma_start3A_457 : memref<80xi32, #tpu.memory_space<vmem>>) semaphore(%dma_start3A_462 : memref<!tpu.dma_semaphore, #tpu.memory_space<semaphore_mem>>)
      } else {
      }
      %add3A_418 = arith.constant 8 : i32
      %add3A_419 = arith.addi %scan3A_394, %add3A_418 : i32
      %lt3A_420 = arith.constant 125 : i32
      %lt3A_421 = arith.cmpi slt, %add3A_419, %lt3A_420 : i32
      %convert_element_type3A_422 = arith.extui %lt3A_421 : i1 to i32
      %cond3A_423 = arith.constant 0 : i32
      %cond3A_424 = arith.cmpi ne, %convert_element_type3A_422, %cond3A_423 : i32
      scf.if %cond3A_424 {
        %mul3A_425 = arith.constant 80 : i32
        %mul3A_426 = arith.muli %add3A_419, %mul3A_425 : i32
        %add3A_427 = arith.addi %mul3A_2, %mul3A_426 : i32
        %multiple_of3A_428 = tpu.assume_multiple %add3A_427, 8 : i32
        %dma_start3A_429 = arith.constant 0 : i32
        %dma_start3A_430 = tpu.memref_slice %arg7[%rem3A_397, %dma_start3A_429] : memref<8x80xi32, #tpu.memory_space<vmem>> -> memref<1x80xi32, #tpu.memory_space<vmem>>
        %dma_start3A_431 = tpu.memref_squeeze %dma_start3A_430 : memref<1x80xi32, #tpu.memory_space<vmem>> -> memref<80xi32, #tpu.memory_space<vmem>>
        %dma_start3A_432 = tpu.memref_slice %arg3[%multiple_of3A_428] : memref<320000xi32, #tpu.memory_space<hbm>> -> memref<80xi32, #tpu.memory_space<hbm>>
        %dma_start3A_433 = tpu.memref_slice %arg10[%rem3A_397] : memref<8x!tpu.dma_semaphore, #tpu.memory_space<semaphore_mem>> -> memref<1x!tpu.dma_semaphore, #tpu.memory_space<semaphore_mem>>
        %dma_start3A_434 = tpu.memref_squeeze %dma_start3A_433 : memref<1x!tpu.dma_semaphore, #tpu.memory_space<semaphore_mem>> -> memref<!tpu.dma_semaphore, #tpu.memory_space<semaphore_mem>>
        %dma_start3A_435 = arith.constant 0 : i32
        %dma_start3A_436 = tpu.memref_slice %arg7[%rem3A_397, %dma_start3A_435] : memref<8x80xi32, #tpu.memory_space<vmem>> -> memref<1x80xi32, #tpu.memory_space<vmem>>
        %dma_start3A_437 = tpu.memref_squeeze %dma_start3A_436 : memref<1x80xi32, #tpu.memory_space<vmem>> -> memref<80xi32, #tpu.memory_space<vmem>>
        %dma_start3A_438 = tpu.memref_slice %arg3[%multiple_of3A_428] : memref<320000xi32, #tpu.memory_space<hbm>> -> memref<80xi32, #tpu.memory_space<hbm>>
        tpu.enqueue_dma source(%dma_start3A_438 : memref<80xi32, #tpu.memory_space<hbm>>) target(%dma_start3A_437 : memref<80xi32, #tpu.memory_space<vmem>>) target_semaphore(%dma_start3A_434 : memref<!tpu.dma_semaphore, #tpu.memory_space<semaphore_mem>>)
        %dma_start3A_439 = arith.constant 0 : i32
        %dma_start3A_440 = tpu.memref_slice %arg8[%rem3A_397, %dma_start3A_439] : memref<8x80xi32, #tpu.memory_space<vmem>> -> memref<1x80xi32, #tpu.memory_space<vmem>>
        %dma_start3A_441 = tpu.memref_squeeze %dma_start3A_440 : memref<1x80xi32, #tpu.memory_space<vmem>> -> memref<80xi32, #tpu.memory_space<vmem>>
        %dma_start3A_442 = tpu.memref_slice %arg4[%multiple_of3A_428] : memref<320000xi32, #tpu.memory_space<hbm>> -> memref<80xi32, #tpu.memory_space<hbm>>
        %dma_start3A_443 = tpu.memref_slice %arg10[%rem3A_397] : memref<8x!tpu.dma_semaphore, #tpu.memory_space<semaphore_mem>> -> memref<1x!tpu.dma_semaphore, #tpu.memory_space<semaphore_mem>>
        %dma_start3A_444 = tpu.memref_squeeze %dma_start3A_443 : memref<1x!tpu.dma_semaphore, #tpu.memory_space<semaphore_mem>> -> memref<!tpu.dma_semaphore, #tpu.memory_space<semaphore_mem>>
        %dma_start3A_445 = arith.constant 0 : i32
        %dma_start3A_446 = tpu.memref_slice %arg8[%rem3A_397, %dma_start3A_445] : memref<8x80xi32, #tpu.memory_space<vmem>> -> memref<1x80xi32, #tpu.memory_space<vmem>>
        %dma_start3A_447 = tpu.memref_squeeze %dma_start3A_446 : memref<1x80xi32, #tpu.memory_space<vmem>> -> memref<80xi32, #tpu.memory_space<vmem>>
        %dma_start3A_448 = tpu.memref_slice %arg4[%multiple_of3A_428] : memref<320000xi32, #tpu.memory_space<hbm>> -> memref<80xi32, #tpu.memory_space<hbm>>
        tpu.enqueue_dma source(%dma_start3A_448 : memref<80xi32, #tpu.memory_space<hbm>>) target(%dma_start3A_447 : memref<80xi32, #tpu.memory_space<vmem>>) target_semaphore(%dma_start3A_444 : memref<!tpu.dma_semaphore, #tpu.memory_space<semaphore_mem>>)
      } else {
      }
    }
    %scan3A_390 = arith.constant 125 : i32
    %barrier3A_391 = arith.constant 0 : index
    tpu.barrier barrier_id(%barrier3A_391)
    %mul3A_392 = arith.constant 625 : i32
    %mul3A_393 = arith.muli %arg1, %mul3A_392 : i32
    "tpu.region"() ({
      %run_scoped3A = tpu.sem_alloc : memref<!tpu.dma_semaphore, #tpu.memory_space<semaphore_mem>>
      %dma_start3A_394 = arith.constant 0 : i32
      %dma_start3A_395 = arith.constant 0 : i32
      %dma_start3A_396 = tpu.memref_slice %arg6[%add3A, %dma_start3A_394, %dma_start3A_395] : memref<32x625x128xf32, #tpu.memory_space<hbm>> -> memref<1x625x128xf32, #tpu.memory_space<hbm>>
      %dma_start3A_397 = tpu.memref_squeeze %dma_start3A_396 : memref<1x625x128xf32, #tpu.memory_space<hbm>> -> memref<625x128xf32, #tpu.memory_space<hbm>>
      %dma_start3A_398 = arith.constant 0 : i32
      %dma_start3A_399 = tpu.memref_slice %arg12[%mul3A_393, %dma_start3A_398] : memref<10000x128xf32, #tpu.memory_space<vmem_shared>> -> memref<625x128xf32, #tpu.memory_space<vmem_shared>>
      tpu.enqueue_dma source(%dma_start3A_399 : memref<625x128xf32, #tpu.memory_space<vmem_shared>>) target(%dma_start3A_397 : memref<625x128xf32, #tpu.memory_space<hbm>>) target_semaphore(%run_scoped3A : memref<!tpu.dma_semaphore, #tpu.memory_space<semaphore_mem>>)
      %dma_wait3A_400 = arith.constant 0 : i32
      %dma_wait3A_401 = arith.constant 0 : i32
      %dma_wait3A_402 = tpu.memref_slice %arg6[%add3A, %dma_wait3A_400, %dma_wait3A_401] : memref<32x625x128xf32, #tpu.memory_space<hbm>> -> memref<1x625x128xf32, #tpu.memory_space<hbm>>
      %dma_wait3A_403 = tpu.memref_squeeze %dma_wait3A_402 : memref<1x625x128xf32, #tpu.memory_space<hbm>> -> memref<625x128xf32, #tpu.memory_space<hbm>>
      %dma_wait3A_404 = arith.constant 0 : i32
      %dma_wait3A_405 = tpu.memref_slice %arg12[%mul3A_393, %dma_wait3A_404] : memref<10000x128xf32, #tpu.memory_space<vmem_shared>> -> memref<625x128xf32, #tpu.memory_space<vmem_shared>>
      tpu.wait_dma2 semaphore(%run_scoped3A : memref<!tpu.dma_semaphore, #tpu.memory_space<semaphore_mem>>) src(%dma_wait3A_405 : memref<625x128xf32, #tpu.memory_space<vmem_shared>>) dst(%dma_wait3A_403 : memref<625x128xf32, #tpu.memory_space<hbm>>)
      tpu.yield
    }) : () -> ()
    return
  }
}

module attributes {stable_mosaic.version = 14 : i64} {
  func.func @_t1_body(%arg0: i32, %arg1: memref<1000x128xf32, #tpu.memory_space<vmem>>, %arg2: memref<1000x128xf32, #tpu.memory_space<vmem>>, %arg3: memref<1000x128xf32, #tpu.memory_space<vmem>>, %arg4: memref<512x128xf32, #tpu.memory_space<vmem>>, %arg5: memref<1x512xf32, #tpu.memory_space<vmem>>, %arg6: memref<1000x512xf32, #tpu.memory_space<vmem>>, %arg7: memref<2x512xf32, #tpu.memory_space<vmem>>) attributes {dimension_semantics = [#tpu.dimension_semantics<arbitrary>], iteration_bounds = array<i64: 10>, scalar_prefetch = 0 : i64, scratch_operands = 0 : i64, tpu.core_type = #tpu.core_type<tc>, window_params = [{transform_indices = @transform_0, window_bounds = array<i64: 1000, 128>}, {transform_indices = @transform_1, window_bounds = array<i64: 1000, 128>}, {transform_indices = @transform_2, window_bounds = array<i64: 1000, 128>}, {pipeline_mode = #tpu.pipeline_mode<synchronous>, transform_indices = @transform_3, window_bounds = array<i64: 512, 128>}, {pipeline_mode = #tpu.pipeline_mode<synchronous>, transform_indices = @transform_4, window_bounds = array<i64: 1, 512>}, {transform_indices = @transform_5, window_bounds = array<i64: 1000, 512>}, {pipeline_mode = #tpu.pipeline_mode<synchronous>, transform_indices = @transform_6, window_bounds = array<i64: 2, 512>}]} {
    %get3A = arith.constant 0 : index
    %get3A_0 = arith.constant 0 : index
    %get3A_1 = vector.load %arg1[%get3A, %get3A_0] : memref<1000x128xf32, #tpu.memory_space<vmem>>, vector<1000x128xf32>
    %get3A_2 = arith.constant 0 : index
    %get3A_3 = arith.constant 0 : index
    %get3A_4 = vector.load %arg2[%get3A_2, %get3A_3] : memref<1000x128xf32, #tpu.memory_space<vmem>>, vector<1000x128xf32>
    %add3A = arith.addf %get3A_1, %get3A_4 : vector<1000x128xf32>
    %get3A_5 = arith.constant 0 : index
    %get3A_6 = arith.constant 0 : index
    %get3A_7 = vector.load %arg3[%get3A_5, %get3A_6] : memref<1000x128xf32, #tpu.memory_space<vmem>>, vector<1000x128xf32>
    %add3A_8 = arith.addf %add3A, %get3A_7 : vector<1000x128xf32>
    %get3A_9 = arith.constant 0 : index
    %get3A_10 = arith.constant 0 : index
    %get3A_11 = vector.load %arg4[%get3A_9, %get3A_10] : memref<512x128xf32, #tpu.memory_space<vmem>>, vector<512x128xf32>
    %dot_general3A = arith.constant dense<0.000000e+00> : vector<1000x512xf32>
    %dot_general3A_12 = tpu.matmul %add3A_8, %get3A_11, %dot_general3A {dimension_numbers = #tpu.dot_dimension_numbers<[1], [1], [0], [0], [0, 0, 1, 0], [], []>, precision = #tpu.contract_precision<fp32>, transpose_lhs_hint = false} : vector<1000x128xf32>, vector<512x128xf32>, vector<1000x512xf32> -> vector<1000x512xf32>
    %get3A_13 = arith.constant 0 : index
    %get3A_14 = arith.constant 0 : index
    %get3A_15 = vector.load %arg5[%get3A_13, %get3A_14] : memref<1x512xf32, #tpu.memory_space<vmem>>, vector<1x512xf32>
    %add3A_16 = vector.broadcast %get3A_15 : vector<1x512xf32> to vector<1000x512xf32>
    %add3A_17 = arith.addf %dot_general3A_12, %add3A_16 : vector<1000x512xf32>
    %swap3A = arith.constant 0 : index
    %swap3A_18 = arith.constant 0 : index
    %swap3A_19 = vector.load %arg6[%swap3A, %swap3A_18] : memref<1000x512xf32, #tpu.memory_space<vmem>>, vector<1000x512xf32>
    tpu.vector_store %arg6[%swap3A, %swap3A_18], %add3A_17 {strides = array<i32>} : memref<1000x512xf32, #tpu.memory_space<vmem>>, vector<1000x512xf32>,
    %eq3A = arith.constant 0 : i32
    %eq3A_20 = arith.cmpi eq, %arg0, %eq3A : i32
    %convert_element_type3A = arith.extui %eq3A_20 : i1 to i32
    %cond3A = arith.constant 0 : i32
    %cond3A_21 = arith.cmpi ne, %convert_element_type3A, %cond3A : i32
    scf.if %cond3A_21 {
      %broadcast_in_dim3A_40 = arith.constant 0.000000e+00 : f32
      %broadcast_in_dim3A_41 = vector.broadcast %broadcast_in_dim3A_40 : f32 to vector<2x512xf32>
      %swap3A_42 = arith.constant 0 : index
      %swap3A_43 = arith.constant 0 : index
      %swap3A_44 = vector.load %arg7[%swap3A_42, %swap3A_43] : memref<2x512xf32, #tpu.memory_space<vmem>>, vector<2x512xf32>
      tpu.vector_store %arg7[%swap3A_42, %swap3A_43], %broadcast_in_dim3A_41 {strides = array<i32>} : memref<2x512xf32, #tpu.memory_space<vmem>>, vector<2x512xf32>,
    } else {
    }
    %get3A_22 = arith.constant 0 : index
    %get3A_23 = arith.constant 0 : index
    %get3A_24 = vector.load %arg7[%get3A_22, %get3A_23] : memref<2x512xf32, #tpu.memory_space<vmem>>, vector<1x512xf32>
    %reduce_sum3A = arith.constant dense<0.000000e+00> : vector<512xf32>
    %reduce_sum3A_25 = vector.multi_reduction <add>, %add3A_17, %reduce_sum3A [0] : vector<1000x512xf32> to vector<512xf32>
    %broadcast_in_dim3A = vector.shape_cast %reduce_sum3A_25 : vector<512xf32> to vector<1x512xf32>
    %add3A_26 = arith.addf %get3A_24, %broadcast_in_dim3A : vector<1x512xf32>
    %swap3A_27 = arith.constant 0 : index
    %swap3A_28 = arith.constant 0 : index
    %swap3A_29 = vector.load %arg7[%swap3A_27, %swap3A_28] : memref<2x512xf32, #tpu.memory_space<vmem>>, vector<1x512xf32>
    tpu.vector_store %arg7[%swap3A_27, %swap3A_28], %add3A_26 {strides = array<i32>} : memref<2x512xf32, #tpu.memory_space<vmem>>, vector<1x512xf32>,
    %get3A_30 = arith.constant 1 : index
    %get3A_31 = arith.constant 0 : index
    %get3A_32 = vector.load %arg7[%get3A_30, %get3A_31] : memref<2x512xf32, #tpu.memory_space<vmem>>, vector<1x512xf32>
    %mul3A = arith.mulf %add3A_17, %add3A_17 : vector<1000x512xf32>
    %reduce_sum3A_33 = arith.constant dense<0.000000e+00> : vector<512xf32>
    %reduce_sum3A_34 = vector.multi_reduction <add>, %mul3A, %reduce_sum3A_33 [0] : vector<1000x512xf32> to vector<512xf32>
    %broadcast_in_dim3A_35 = vector.shape_cast %reduce_sum3A_34 : vector<512xf32> to vector<1x512xf32>
    %add3A_36 = arith.addf %get3A_32, %broadcast_in_dim3A_35 : vector<1x512xf32>
    %swap3A_37 = arith.constant 1 : index
    %swap3A_38 = arith.constant 0 : index
    %swap3A_39 = vector.load %arg7[%swap3A_37, %swap3A_38] : memref<2x512xf32, #tpu.memory_space<vmem>>, vector<1x512xf32>
    tpu.vector_store %arg7[%swap3A_37, %swap3A_38], %add3A_36 {strides = array<i32>} : memref<2x512xf32, #tpu.memory_space<vmem>>, vector<1x512xf32>,
    return
  }
  func.func @transform_0(%arg0: i32) -> (i32, i32) {
    %c0_i32 = arith.constant 0 : i32
    %c0_i32_0 = arith.constant 0 : i32
    return %arg0, %c0_i32 : i32, i32
  }
  func.func @transform_1(%arg0: i32) -> (i32, i32) {
    %c0_i32 = arith.constant 0 : i32
    %c0_i32_0 = arith.constant 0 : i32
    return %arg0, %c0_i32 : i32, i32
  }
  func.func @transform_2(%arg0: i32) -> (i32, i32) {
    %c0_i32 = arith.constant 0 : i32
    %c0_i32_0 = arith.constant 0 : i32
    return %arg0, %c0_i32 : i32, i32
  }
  func.func @transform_3(%arg0: i32) -> (i32, i32) {
    %c0_i32 = arith.constant 0 : i32
    %c0_i32_0 = arith.constant 0 : i32
    %c0_i32_1 = arith.constant 0 : i32
    return %c0_i32, %c0_i32_0 : i32, i32
  }
  func.func @transform_4(%arg0: i32) -> (i32, i32) {
    %c0_i32 = arith.constant 0 : i32
    %c0_i32_0 = arith.constant 0 : i32
    %c0_i32_1 = arith.constant 0 : i32
    return %c0_i32, %c0_i32_0 : i32, i32
  }
  func.func @transform_5(%arg0: i32) -> (i32, i32) {
    %c0_i32 = arith.constant 0 : i32
    %c0_i32_0 = arith.constant 0 : i32
    return %arg0, %c0_i32 : i32, i32
  }
  func.func @transform_6(%arg0: i32) -> (i32, i32) {
    %c0_i32 = arith.constant 0 : i32
    %c0_i32_0 = arith.constant 0 : i32
    %c0_i32_1 = arith.constant 0 : i32
    return %c0_i32, %c0_i32_0 : i32, i32
  }
}

module attributes {stable_mosaic.version = 14 : i64} {
  func.func @_t2_body(%arg0: i32, %arg1: memref<1000x512xf32, #tpu.memory_space<vmem>>, %arg2: memref<2x512xf32, #tpu.memory_space<vmem>>, %arg3: memref<1x512xf32, #tpu.memory_space<vmem>>, %arg4: memref<1x512xf32, #tpu.memory_space<vmem>>, %arg5: memref<1x1xf32, #tpu.memory_space<vmem>>, %arg6: memref<128x512xf32, #tpu.memory_space<vmem>>, %arg7: memref<1x128xf32, #tpu.memory_space<vmem>>, %arg8: memref<1000x128xf32, #tpu.memory_space<vmem>>, %arg9: memref<2x128xf32, #tpu.memory_space<vmem>>) attributes {dimension_semantics = [#tpu.dimension_semantics<arbitrary>], iteration_bounds = array<i64: 10>, scalar_prefetch = 0 : i64, scratch_operands = 0 : i64, tpu.core_type = #tpu.core_type<tc>, window_params = [{transform_indices = @transform_0, window_bounds = array<i64: 1000, 512>}, {pipeline_mode = #tpu.pipeline_mode<synchronous>, transform_indices = @transform_1, window_bounds = array<i64: 2, 512>}, {pipeline_mode = #tpu.pipeline_mode<synchronous>, transform_indices = @transform_2, window_bounds = array<i64: 1, 512>}, {pipeline_mode = #tpu.pipeline_mode<synchronous>, transform_indices = @transform_3, window_bounds = array<i64: 1, 512>}, {pipeline_mode = #tpu.pipeline_mode<synchronous>, transform_indices = @transform_4, window_bounds = array<i64: 1, 1>}, {pipeline_mode = #tpu.pipeline_mode<synchronous>, transform_indices = @transform_5, window_bounds = array<i64: 128, 512>}, {pipeline_mode = #tpu.pipeline_mode<synchronous>, transform_indices = @transform_6, window_bounds = array<i64: 1, 128>}, {transform_indices = @transform_7, window_bounds = array<i64: 1000, 128>}, {pipeline_mode = #tpu.pipeline_mode<synchronous>, transform_indices = @transform_8, window_bounds = array<i64: 2, 128>}]} {
    %get3A = arith.constant 0 : index
    %get3A_0 = arith.constant 0 : index
    %get3A_1 = vector.load %arg1[%get3A, %get3A_0] : memref<1000x512xf32, #tpu.memory_space<vmem>>, vector<1000x512xf32>
    %get3A_2 = arith.constant 0 : index
    %get3A_3 = arith.constant 0 : index
    %get3A_4 = vector.load %arg2[%get3A_2, %get3A_3] : memref<2x512xf32, #tpu.memory_space<vmem>>, vector<2x512xf32>
    %get3A_5 = arith.constant 0 : index
    %get3A_6 = arith.constant 0 : index
    %get3A_7 = vector.load %arg3[%get3A_5, %get3A_6] : memref<1x512xf32, #tpu.memory_space<vmem>>, vector<1x512xf32>
    %get3A_8 = arith.constant 0 : index
    %get3A_9 = arith.constant 0 : index
    %get3A_10 = vector.load %arg4[%get3A_8, %get3A_9] : memref<1x512xf32, #tpu.memory_space<vmem>>, vector<1x512xf32>
    %get3A_11 = arith.constant 0 : index
    %get3A_12 = arith.constant 0 : index
    %get3A_13 = vector.load %arg5[%get3A_11, %get3A_12] : memref<1x1xf32, #tpu.memory_space<vmem>>, vector<1x1xf32>
    %get3A_14 = vector.extract %get3A_13[0, 0] : f32 from vector<1x1xf32>
    %slice3A = vector.extract_strided_slice %get3A_4 {offsets = [0, 0], sizes = [1, 512], strides = [1, 1]} : vector<2x512xf32> to vector<1x512xf32>
    %mul3A = arith.constant 9.99999974E-5 : f32
    %mul3A_15 = vector.broadcast %mul3A : f32 to vector<1x512xf32>
    %mul3A_16 = arith.mulf %slice3A, %mul3A_15 : vector<1x512xf32>
    %slice3A_17 = vector.extract_strided_slice %get3A_4 {offsets = [1, 0], sizes = [1, 512], strides = [1, 1]} : vector<2x512xf32> to vector<1x512xf32>
    %mul3A_18 = arith.constant 9.99999974E-5 : f32
    %mul3A_19 = vector.broadcast %mul3A_18 : f32 to vector<1x512xf32>
    %mul3A_20 = arith.mulf %slice3A_17, %mul3A_19 : vector<1x512xf32>
    %mul3A_21 = arith.mulf %mul3A_16, %mul3A_16 : vector<1x512xf32>
    %sub3A = arith.subf %mul3A_20, %mul3A_21 : vector<1x512xf32>
    %sub3A_22 = vector.broadcast %mul3A_16 : vector<1x512xf32> to vector<1000x512xf32>
    %sub3A_23 = arith.subf %get3A_1, %sub3A_22 : vector<1000x512xf32>
    %add3A = arith.constant 9.99999974E-6 : f32
    %add3A_24 = vector.broadcast %add3A : f32 to vector<1x512xf32>
    %add3A_25 = arith.addf %sub3A, %add3A_24 : vector<1x512xf32>
    %rsqrt3A = math.rsqrt %add3A_25 : vector<1x512xf32>
    %mul3A_26 = vector.broadcast %rsqrt3A : vector<1x512xf32> to vector<1000x512xf32>
    %mul3A_27 = arith.mulf %sub3A_23, %mul3A_26 : vector<1000x512xf32>
    %mul3A_28 = vector.broadcast %get3A_7 : vector<1x512xf32> to vector<1000x512xf32>
    %mul3A_29 = arith.mulf %mul3A_27, %mul3A_28 : vector<1000x512xf32>
    %add3A_30 = vector.broadcast %get3A_10 : vector<1x512xf32> to vector<1000x512xf32>
    %add3A_31 = arith.addf %mul3A_29, %add3A_30 : vector<1000x512xf32>
    %max3A = arith.constant 0.000000e+00 : f32
    %max3A_32 = vector.broadcast %max3A : f32 to vector<1000x512xf32>
    %max3A_33 = arith.maximumf %add3A_31, %max3A_32 : vector<1000x512xf32>
    %min3A = arith.constant 0.000000e+00 : f32
    %min3A_34 = vector.broadcast %min3A : f32 to vector<1000x512xf32>
    %min3A_35 = arith.minimumf %add3A_31, %min3A_34 : vector<1000x512xf32>
    %mul3A_36 = vector.broadcast %get3A_14 : f32 to vector<1000x512xf32>
    %mul3A_37 = arith.mulf %mul3A_36, %min3A_35 : vector<1000x512xf32>
    %add3A_38 = arith.addf %max3A_33, %mul3A_37 : vector<1000x512xf32>
    %get3A_39 = arith.constant 0 : index
    %get3A_40 = arith.constant 0 : index
    %get3A_41 = vector.load %arg6[%get3A_39, %get3A_40] : memref<128x512xf32, #tpu.memory_space<vmem>>, vector<128x512xf32>
    %dot_general3A = arith.constant dense<0.000000e+00> : vector<1000x128xf32>
    %dot_general3A_42 = tpu.matmul %add3A_38, %get3A_41, %dot_general3A {dimension_numbers = #tpu.dot_dimension_numbers<[1], [1], [0], [0], [0, 0, 1, 0], [], []>, precision = #tpu.contract_precision<fp32>, transpose_lhs_hint = false} : vector<1000x512xf32>, vector<128x512xf32>, vector<1000x128xf32> -> vector<1000x128xf32>
    %get3A_43 = arith.constant 0 : index
    %get3A_44 = arith.constant 0 : index
    %get3A_45 = vector.load %arg7[%get3A_43, %get3A_44] : memref<1x128xf32, #tpu.memory_space<vmem>>, vector<1x128xf32>
    %add3A_46 = vector.broadcast %get3A_45 : vector<1x128xf32> to vector<1000x128xf32>
    %add3A_47 = arith.addf %dot_general3A_42, %add3A_46 : vector<1000x128xf32>
    %swap3A = arith.constant 0 : index
    %swap3A_48 = arith.constant 0 : index
    %swap3A_49 = vector.load %arg8[%swap3A, %swap3A_48] : memref<1000x128xf32, #tpu.memory_space<vmem>>, vector<1000x128xf32>
    tpu.vector_store %arg8[%swap3A, %swap3A_48], %add3A_47 {strides = array<i32>} : memref<1000x128xf32, #tpu.memory_space<vmem>>, vector<1000x128xf32>,
    %eq3A = arith.constant 0 : i32
    %eq3A_50 = arith.cmpi eq, %arg0, %eq3A : i32
    %convert_element_type3A = arith.extui %eq3A_50 : i1 to i32
    %cond3A = arith.constant 0 : i32
    %cond3A_51 = arith.cmpi ne, %convert_element_type3A, %cond3A : i32
    scf.if %cond3A_51 {
      %broadcast_in_dim3A_71 = arith.constant 0.000000e+00 : f32
      %broadcast_in_dim3A_72 = vector.broadcast %broadcast_in_dim3A_71 : f32 to vector<2x128xf32>
      %swap3A_73 = arith.constant 0 : index
      %swap3A_74 = arith.constant 0 : index
      %swap3A_75 = vector.load %arg9[%swap3A_73, %swap3A_74] : memref<2x128xf32, #tpu.memory_space<vmem>>, vector<2x128xf32>
      tpu.vector_store %arg9[%swap3A_73, %swap3A_74], %broadcast_in_dim3A_72 {strides = array<i32>} : memref<2x128xf32, #tpu.memory_space<vmem>>, vector<2x128xf32>,
    } else {
    }
    %get3A_52 = arith.constant 0 : index
    %get3A_53 = arith.constant 0 : index
    %get3A_54 = vector.load %arg9[%get3A_52, %get3A_53] : memref<2x128xf32, #tpu.memory_space<vmem>>, vector<1x128xf32>
    %reduce_sum3A = arith.constant dense<0.000000e+00> : vector<128xf32>
    %reduce_sum3A_55 = vector.multi_reduction <add>, %add3A_47, %reduce_sum3A [0] : vector<1000x128xf32> to vector<128xf32>
    %broadcast_in_dim3A = vector.shape_cast %reduce_sum3A_55 : vector<128xf32> to vector<1x128xf32>
    %add3A_56 = arith.addf %get3A_54, %broadcast_in_dim3A : vector<1x128xf32>
    %swap3A_57 = arith.constant 0 : index
    %swap3A_58 = arith.constant 0 : index
    %swap3A_59 = vector.load %arg9[%swap3A_57, %swap3A_58] : memref<2x128xf32, #tpu.memory_space<vmem>>, vector<1x128xf32>
    tpu.vector_store %arg9[%swap3A_57, %swap3A_58], %add3A_56 {strides = array<i32>} : memref<2x128xf32, #tpu.memory_space<vmem>>, vector<1x128xf32>,
    %get3A_60 = arith.constant 1 : index
    %get3A_61 = arith.constant 0 : index
    %get3A_62 = vector.load %arg9[%get3A_60, %get3A_61] : memref<2x128xf32, #tpu.memory_space<vmem>>, vector<1x128xf32>
    %mul3A_63 = arith.mulf %add3A_47, %add3A_47 : vector<1000x128xf32>
    %reduce_sum3A_64 = arith.constant dense<0.000000e+00> : vector<128xf32>
    %reduce_sum3A_65 = vector.multi_reduction <add>, %mul3A_63, %reduce_sum3A_64 [0] : vector<1000x128xf32> to vector<128xf32>
    %broadcast_in_dim3A_66 = vector.shape_cast %reduce_sum3A_65 : vector<128xf32> to vector<1x128xf32>
    %add3A_67 = arith.addf %get3A_62, %broadcast_in_dim3A_66 : vector<1x128xf32>
    %swap3A_68 = arith.constant 1 : index
    %swap3A_69 = arith.constant 0 : index
    %swap3A_70 = vector.load %arg9[%swap3A_68, %swap3A_69] : memref<2x128xf32, #tpu.memory_space<vmem>>, vector<1x128xf32>
    tpu.vector_store %arg9[%swap3A_68, %swap3A_69], %add3A_67 {strides = array<i32>} : memref<2x128xf32, #tpu.memory_space<vmem>>, vector<1x128xf32>,
    return
  }
  func.func @transform_0(%arg0: i32) -> (i32, i32) {
    %c0_i32 = arith.constant 0 : i32
    %c0_i32_0 = arith.constant 0 : i32
    return %arg0, %c0_i32 : i32, i32
  }
  func.func @transform_1(%arg0: i32) -> (i32, i32) {
    %c0_i32 = arith.constant 0 : i32
    %c0_i32_0 = arith.constant 0 : i32
    %c0_i32_1 = arith.constant 0 : i32
    return %c0_i32, %c0_i32_0 : i32, i32
  }
  func.func @transform_2(%arg0: i32) -> (i32, i32) {
    %c0_i32 = arith.constant 0 : i32
    %c0_i32_0 = arith.constant 0 : i32
    %c0_i32_1 = arith.constant 0 : i32
    return %c0_i32, %c0_i32_0 : i32, i32
  }
  func.func @transform_3(%arg0: i32) -> (i32, i32) {
    %c0_i32 = arith.constant 0 : i32
    %c0_i32_0 = arith.constant 0 : i32
    %c0_i32_1 = arith.constant 0 : i32
    return %c0_i32, %c0_i32_0 : i32, i32
  }
  func.func @transform_4(%arg0: i32) -> (i32, i32) {
    %c0_i32 = arith.constant 0 : i32
    %c0_i32_0 = arith.constant 0 : i32
    %c0_i32_1 = arith.constant 0 : i32
    return %c0_i32, %c0_i32_0 : i32, i32
  }
  func.func @transform_5(%arg0: i32) -> (i32, i32) {
    %c0_i32 = arith.constant 0 : i32
    %c0_i32_0 = arith.constant 0 : i32
    %c0_i32_1 = arith.constant 0 : i32
    return %c0_i32, %c0_i32_0 : i32, i32
  }
  func.func @transform_6(%arg0: i32) -> (i32, i32) {
    %c0_i32 = arith.constant 0 : i32
    %c0_i32_0 = arith.constant 0 : i32
    %c0_i32_1 = arith.constant 0 : i32
    return %c0_i32, %c0_i32_0 : i32, i32
  }
  func.func @transform_7(%arg0: i32) -> (i32, i32) {
    %c0_i32 = arith.constant 0 : i32
    %c0_i32_0 = arith.constant 0 : i32
    return %arg0, %c0_i32 : i32, i32
  }
  func.func @transform_8(%arg0: i32) -> (i32, i32) {
    %c0_i32 = arith.constant 0 : i32
    %c0_i32_0 = arith.constant 0 : i32
    %c0_i32_1 = arith.constant 0 : i32
    return %c0_i32, %c0_i32_0 : i32, i32
  }
}

module attributes {stable_mosaic.version = 14 : i64} {
  func.func @_t3_body(%arg0: i32, %arg1: memref<1000x128xf32, #tpu.memory_space<vmem>>, %arg2: memref<2x128xf32, #tpu.memory_space<vmem>>, %arg3: memref<1x128xf32, #tpu.memory_space<vmem>>, %arg4: memref<1x128xf32, #tpu.memory_space<vmem>>, %arg5: memref<1x1xf32, #tpu.memory_space<vmem>>, %arg6: memref<1000x128xf32, #tpu.memory_space<vmem>>, %arg7: memref<1000x128xf32, #tpu.memory_space<vmem>>) attributes {dimension_semantics = [#tpu.dimension_semantics<arbitrary>], iteration_bounds = array<i64: 10>, scalar_prefetch = 0 : i64, scratch_operands = 0 : i64, tpu.core_type = #tpu.core_type<tc>, window_params = [{transform_indices = @transform_0, window_bounds = array<i64: 1000, 128>}, {pipeline_mode = #tpu.pipeline_mode<synchronous>, transform_indices = @transform_1, window_bounds = array<i64: 2, 128>}, {pipeline_mode = #tpu.pipeline_mode<synchronous>, transform_indices = @transform_2, window_bounds = array<i64: 1, 128>}, {pipeline_mode = #tpu.pipeline_mode<synchronous>, transform_indices = @transform_3, window_bounds = array<i64: 1, 128>}, {pipeline_mode = #tpu.pipeline_mode<synchronous>, transform_indices = @transform_4, window_bounds = array<i64: 1, 1>}, {transform_indices = @transform_5, window_bounds = array<i64: 1000, 128>}, {transform_indices = @transform_6, window_bounds = array<i64: 1000, 128>}]} {
    %get3A = arith.constant 0 : index
    %get3A_0 = arith.constant 0 : index
    %get3A_1 = vector.load %arg1[%get3A, %get3A_0] : memref<1000x128xf32, #tpu.memory_space<vmem>>, vector<1000x128xf32>
    %get3A_2 = arith.constant 0 : index
    %get3A_3 = arith.constant 0 : index
    %get3A_4 = vector.load %arg2[%get3A_2, %get3A_3] : memref<2x128xf32, #tpu.memory_space<vmem>>, vector<2x128xf32>
    %get3A_5 = arith.constant 0 : index
    %get3A_6 = arith.constant 0 : index
    %get3A_7 = vector.load %arg3[%get3A_5, %get3A_6] : memref<1x128xf32, #tpu.memory_space<vmem>>, vector<1x128xf32>
    %get3A_8 = arith.constant 0 : index
    %get3A_9 = arith.constant 0 : index
    %get3A_10 = vector.load %arg4[%get3A_8, %get3A_9] : memref<1x128xf32, #tpu.memory_space<vmem>>, vector<1x128xf32>
    %get3A_11 = arith.constant 0 : index
    %get3A_12 = arith.constant 0 : index
    %get3A_13 = vector.load %arg5[%get3A_11, %get3A_12] : memref<1x1xf32, #tpu.memory_space<vmem>>, vector<1x1xf32>
    %get3A_14 = vector.extract %get3A_13[0, 0] : f32 from vector<1x1xf32>
    %slice3A = vector.extract_strided_slice %get3A_4 {offsets = [0, 0], sizes = [1, 128], strides = [1, 1]} : vector<2x128xf32> to vector<1x128xf32>
    %mul3A = arith.constant 9.99999974E-5 : f32
    %mul3A_15 = vector.broadcast %mul3A : f32 to vector<1x128xf32>
    %mul3A_16 = arith.mulf %slice3A, %mul3A_15 : vector<1x128xf32>
    %slice3A_17 = vector.extract_strided_slice %get3A_4 {offsets = [1, 0], sizes = [1, 128], strides = [1, 1]} : vector<2x128xf32> to vector<1x128xf32>
    %mul3A_18 = arith.constant 9.99999974E-5 : f32
    %mul3A_19 = vector.broadcast %mul3A_18 : f32 to vector<1x128xf32>
    %mul3A_20 = arith.mulf %slice3A_17, %mul3A_19 : vector<1x128xf32>
    %mul3A_21 = arith.mulf %mul3A_16, %mul3A_16 : vector<1x128xf32>
    %sub3A = arith.subf %mul3A_20, %mul3A_21 : vector<1x128xf32>
    %sub3A_22 = vector.broadcast %mul3A_16 : vector<1x128xf32> to vector<1000x128xf32>
    %sub3A_23 = arith.subf %get3A_1, %sub3A_22 : vector<1000x128xf32>
    %add3A = arith.constant 9.99999974E-6 : f32
    %add3A_24 = vector.broadcast %add3A : f32 to vector<1x128xf32>
    %add3A_25 = arith.addf %sub3A, %add3A_24 : vector<1x128xf32>
    %rsqrt3A = math.rsqrt %add3A_25 : vector<1x128xf32>
    %mul3A_26 = vector.broadcast %rsqrt3A : vector<1x128xf32> to vector<1000x128xf32>
    %mul3A_27 = arith.mulf %sub3A_23, %mul3A_26 : vector<1000x128xf32>
    %mul3A_28 = vector.broadcast %get3A_7 : vector<1x128xf32> to vector<1000x128xf32>
    %mul3A_29 = arith.mulf %mul3A_27, %mul3A_28 : vector<1000x128xf32>
    %add3A_30 = vector.broadcast %get3A_10 : vector<1x128xf32> to vector<1000x128xf32>
    %add3A_31 = arith.addf %mul3A_29, %add3A_30 : vector<1000x128xf32>
    %max3A = arith.constant 0.000000e+00 : f32
    %max3A_32 = vector.broadcast %max3A : f32 to vector<1000x128xf32>
    %max3A_33 = arith.maximumf %add3A_31, %max3A_32 : vector<1000x128xf32>
    %min3A = arith.constant 0.000000e+00 : f32
    %min3A_34 = vector.broadcast %min3A : f32 to vector<1000x128xf32>
    %min3A_35 = arith.minimumf %add3A_31, %min3A_34 : vector<1000x128xf32>
    %mul3A_36 = vector.broadcast %get3A_14 : f32 to vector<1000x128xf32>
    %mul3A_37 = arith.mulf %mul3A_36, %min3A_35 : vector<1000x128xf32>
    %add3A_38 = arith.addf %max3A_33, %mul3A_37 : vector<1000x128xf32>
    %get3A_39 = arith.constant 0 : index
    %get3A_40 = arith.constant 0 : index
    %get3A_41 = vector.load %arg6[%get3A_39, %get3A_40] : memref<1000x128xf32, #tpu.memory_space<vmem>>, vector<1000x128xf32>
    %add3A_42 = arith.addf %add3A_38, %get3A_41 : vector<1000x128xf32>
    %swap3A = arith.constant 0 : index
    %swap3A_43 = arith.constant 0 : index
    %swap3A_44 = vector.load %arg7[%swap3A, %swap3A_43] : memref<1000x128xf32, #tpu.memory_space<vmem>>, vector<1000x128xf32>
    tpu.vector_store %arg7[%swap3A, %swap3A_43], %add3A_42 {strides = array<i32>} : memref<1000x128xf32, #tpu.memory_space<vmem>>, vector<1000x128xf32>,
    return
  }
  func.func @transform_0(%arg0: i32) -> (i32, i32) {
    %c0_i32 = arith.constant 0 : i32
    %c0_i32_0 = arith.constant 0 : i32
    return %arg0, %c0_i32 : i32, i32
  }
  func.func @transform_1(%arg0: i32) -> (i32, i32) {
    %c0_i32 = arith.constant 0 : i32
    %c0_i32_0 = arith.constant 0 : i32
    %c0_i32_1 = arith.constant 0 : i32
    return %c0_i32, %c0_i32_0 : i32, i32
  }
  func.func @transform_2(%arg0: i32) -> (i32, i32) {
    %c0_i32 = arith.constant 0 : i32
    %c0_i32_0 = arith.constant 0 : i32
    %c0_i32_1 = arith.constant 0 : i32
    return %c0_i32, %c0_i32_0 : i32, i32
  }
  func.func @transform_3(%arg0: i32) -> (i32, i32) {
    %c0_i32 = arith.constant 0 : i32
    %c0_i32_0 = arith.constant 0 : i32
    %c0_i32_1 = arith.constant 0 : i32
    return %c0_i32, %c0_i32_0 : i32, i32
  }
  func.func @transform_4(%arg0: i32) -> (i32, i32) {
    %c0_i32 = arith.constant 0 : i32
    %c0_i32_0 = arith.constant 0 : i32
    %c0_i32_1 = arith.constant 0 : i32
    return %c0_i32, %c0_i32_0 : i32, i32
  }
  func.func @transform_5(%arg0: i32) -> (i32, i32) {
    %c0_i32 = arith.constant 0 : i32
    %c0_i32_0 = arith.constant 0 : i32
    return %arg0, %c0_i32 : i32, i32
  }
  func.func @transform_6(%arg0: i32) -> (i32, i32) {
    %c0_i32 = arith.constant 0 : i32
    %c0_i32_0 = arith.constant 0 : i32
    return %arg0, %c0_i32 : i32, i32
  }
}

</mosaic_0001>

<sc_bundles>
// kernel: kernel.6.cloned.1.call-start
scs
__scs_entry_jumppad:
0x0: {  	(pc) =	sbr.rel $0x88, $3  }
0x1: {  	(tag) =	ssettag $0x0;
	lr =	simm.s32 $0x1  }
0x2: {  	[smem:$0x3F95] =	sst lr;
	_ =	strace $0xD0000000  }
0x3: {  	_ = 	snop  }
0x4: {  	_ = 	snop  }
0x5: {  	_ = 	snop  }
0x6: {  	_ = 	snop  }
0x7: {  	_ = 	snop  }
__scs_overlays_trampoline_lowered:
0x8: {  	[smem:$0x3FA4] =	sst s0  }
0x9: {  	[smem:$0x3FA5] =	sst s1  }
0xa: {  	[smem:$0x3FA6] =	sst s2  }
0xb: {  	[smem:$0x3FA7] =	sst s3  }
0xc: {  	[smem:$0x3FA8] =	sst s4  }
0xd: {  	[smem:$0x3FA9] =	sst s5  }
0xe: {  	[smem:$0x3FAA] =	sst s6  }
0xf: {  	[smem:$0x3FAB] =	sst s7  }
0x10: {  	[smem:$0x3FAC] =	sst s8  }
0x11: {  	[smem:$0x3FAD] =	sst s9;
	s0 =	simm.s32 @!p0 $0x0  }
0x12: {  	s1 =	sld [smem:$0x3F93];
	s0 =	simm.s32 @p0 $0x1  }
0x13: {  	[smem:$0x3FAE] =	sst s0;
	s0 =	simm.s32 @!p1 $0x0  }
0x14: {  	s2 =	sld [smem:$0x3F92];
	s0 =	simm.s32 @p1 $0x1  }
0x15: {  	[smem:$0x3FAF] =	sst s0;
	s0 =	simm.s32 @!p2 $0x0  }
0x16: {  	s3 =	sld [smem:$0x3FDB];
	s0 =	simm.s32 @p2 $0x1  }
0x17: {  	s4 =	simm.s32 $0x1BF5;
	[smem:$0x3FB1] =	sst s0  }
0x18: {  	s0 =	sld [smem:$0x3F94];
	_ =	swait.ge [sflag:s4], $0x0  }
0x19: {  	s7 =	sld [smem:$0x3F95]  }
0x1a: {  	s8 =	sadd.s32 $0xFFFFE003, lr  }
0x1b: {  	s9 =	sadd.s32 $0xFFFFFEF7, lr;
	s5 =	simm.s32 $0xFFFFFFFF;
	p2 =	slt.u32 s8, $0xFFFFF086  }
0x1c: {  	p1 =	slt.u32 s9, $0xF7A;
	s5 =	simm.s32 @!p2 $0x0  }
0x1d: {  	s5 =	simm.s32 @p1 $0x1;
	p0 =	seq.s32 s7, s2  }
0x1e: {  	s7 =	smul.u32 @!p0 $0xF7A, s2;
	p2 =	seq.s32 @!p0 s5, $0x0  }
0x1f: {  	s9 =	smul.u32 $0xF7A, s1;
	s8 =	simm.s32 @!p0 $0x1BF5;
	p2 =	por !p2, p0  }
0x20: {  	[sflag:s8] =	ssyncset.s32 @!p0 $0xFFFFF086;
	s6 =	sadd.s32 @!p0 s3, s7;
	s7 =	simm.s32 @!p0 $0x108  }
0x21: {  	s3 =	sadd.s32 s3, s9;
	s6 =	sadd.s32 @!p0 $0x88, s6;
	s7 =	simm.s32 @p2 $0x1082  }
0x22: {  	[simem:s7], [sflag:s8] =	dma.local @!p0 [hbm:s6], $0xF7A  }
0x23: {  	s9 =	sor.u32 $0xD0000000, s2;
	s6 =	simm.s32 $0x108;
	_ =	swait.ge @!p0 [sflag:s8], $0x0  }
0x24: {  	s3 =	sadd.s32 $0x88, s3;
	s6 =	simm.s32 @!p1 $0x1082;
	[sflag:s4] =	ssyncset.s32 $0xFFFFF086  }
0x25: {  	[simem:s6], [sflag:s4] =	dma.local [hbm:s3], $0xF7A  }
0x26: {  	[smem:$0x3F95] =	sst s1;
	(tag) =	ssettag s2;
	_ =	strace s9  }
0x27: {  	s1 =	sld [smem:$0x3FA5]  }
0x28: {  	s2 =	sld [smem:$0x3FA6]  }
0x29: {  	s4 =	sld [smem:$0x3FA8]  }
0x2a: {  	p0 =	seq.s32 s5, $0x0;
	s5 =	sld [smem:$0x3FA9]  }
0x2b: {  	s6 =	sld [smem:$0x3FAA]  }
0x2c: {  	s7 =	sld [smem:$0x3FAB]  }
0x2d: {  	s3 =	simm.s32 $0x108;
	s8 =	sld [smem:$0x3FAC]  }
0x2e: {  	s3 =	simm.s32 @!p0 $0x1082;
	s9 =	sld [smem:$0x3FAD]  }
0x2f: {  	lr =	sadd.s32 s0, s3;
	s0 =	sld [smem:$0x3FA4]  }
0x30: {  	s3 =	sld [smem:$0x3FA7]  }
0x31: {  	[smem:$0x3FB0] =	sst s10  }
0x32: {  	s10 =	sld [smem:$0x3FAE];
	_ =	sdelay $0x3  }
0x33: {  	p0 =	seq.s32 s10, $0x1;
	s10 =	sld [smem:$0x3FB0];
	_ =	sdelay $0x3  }
0x34: {  	[smem:$0x3FB0] =	sst s10  }
0x35: {  	s10 =	sld [smem:$0x3FAF];
	_ =	sdelay $0x3  }
0x36: {  	p1 =	seq.s32 s10, $0x1;
	s10 =	sld [smem:$0x3FB0];
	_ =	sdelay $0x3  }
0x37: {  	[smem:$0x3FB0] =	sst s10  }
0x38: {  	s10 =	sld [smem:$0x3FB1]  }
0x39: {  	_ = 	snop;
	(pc) =	sbr.ind lr, $3  }
0x3a: {  	_ = 	snop  }
0x3b: {  	_ = 	snop  }
0x3c: {  	p2 =	seq.s32 s10, $0x1;
	s10 =	sld [smem:$0x3FB0]  }
0x3d: {  	_ =	shalt  }
0x3e: {  	_ =	shalt  }
0x3f: {  	_ =	shalt  }
0x40: {  	_ =	shalt  }
0x41: {  	_ =	shalt  }
0x42: {  	_ =	shalt  }
0x43: {  	_ =	shalt  }
0x44: {  	_ =	shalt  }
0x45: {  	_ =	shalt  }
0x46: {  	_ =	shalt  }
0x47: {  	_ =	shalt  }
0x48: {  	_ =	shalt  }
0x49: {  	_ =	shalt  }
0x4a: {  	_ =	shalt  }
0x4b: {  	_ =	shalt  }
0x4c: {  	_ =	shalt  }
0x4d: {  	_ =	shalt  }
0x4e: {  	_ =	shalt  }
0x4f: {  	_ =	shalt  }
0x50: {  	_ =	shalt  }
0x51: {  	_ =	shalt  }
0x52: {  	_ =	shalt  }
0x53: {  	_ =	shalt  }
0x54: {  	_ =	shalt  }
0x55: {  	_ =	shalt  }
0x56: {  	_ =	shalt  }
0x57: {  	_ =	shalt  }
0x58: {  	_ =	shalt  }
0x59: {  	_ =	shalt  }
0x5a: {  	_ =	shalt  }
0x5b: {  	_ =	shalt  }
0x5c: {  	_ =	shalt  }
0x5d: {  	_ =	shalt  }
0x5e: {  	_ =	shalt  }
0x5f: {  	_ =	shalt  }
0x60: {  	_ =	shalt  }
0x61: {  	_ =	shalt  }
0x62: {  	_ =	shalt  }
0x63: {  	_ =	shalt  }
0x64: {  	_ =	shalt  }
0x65: {  	_ =	shalt  }
0x66: {  	_ =	shalt  }
0x67: {  	_ =	shalt  }
0x68: {  	_ =	shalt  }
0x69: {  	_ =	shalt  }
0x6a: {  	_ =	shalt  }
0x6b: {  	_ =	shalt  }
0x6c: {  	_ =	shalt  }
0x6d: {  	_ =	shalt  }
0x6e: {  	_ =	shalt  }
0x6f: {  	_ =	shalt  }
0x70: {  	_ =	shalt  }
0x71: {  	_ =	shalt  }
0x72: {  	_ =	shalt  }
0x73: {  	_ =	shalt  }
0x74: {  	_ =	shalt  }
0x75: {  	_ =	shalt  }
0x76: {  	_ =	shalt  }
0x77: {  	_ =	shalt  }
0x78: {  	_ =	shalt  }
0x79: {  	_ =	shalt  }
0x7a: {  	_ =	shalt  }
0x7b: {  	_ =	shalt  }
0x7c: {  	_ =	shalt  }
0x7d: {  	_ =	shalt  }
0x7e: {  	_ =	shalt  }
0x7f: {  	_ =	shalt  }
0x80: {  	_ =	shalt  }
0x81: {  	_ =	shalt  }
0x82: {  	_ =	shalt  }
0x83: {  	_ =	shalt  }
0x84: {  	_ =	shalt  }
0x85: {  	_ =	shalt  }
0x86: {  	_ =	shalt  }
0x87: {  	_ =	shalt  }
.Lfunc_end0:
.L_simem_size_0:
called_computation_lowered:
.L_overlay_start_0:
0x88: {  	s2 =	sld [smem:$0x3FD9]  }
0x89: {  	s3 =	sld [smem:$0x3FFE];
	_ =	sdelay $0x1  }
0x8a: {  	s1 =	srdreg.scid  }
0x8b: {  	s0 =	sand.u32 $0x1, s1  }
0x8c: {  	s17 =	sshll.u32 s0, $0xA;
	s2 =	sadd.s32 s3, s2  }
0x8d: {  	s2 =	sadd.s32 s2, s17  }
0x8e: {  	[smem:$0x3FBC] =	sst s2  }
0x8f: {  	_ = 	snop  }
0x90: {  	s2 =	sld [smem:$0x3FC9]  }
0x91: {  	s18 =	sld [smem:$0x3FD0];
	(tm) =	ssettm $0x1  }
0x92: {  	s4 =	sld [smem:$0x3FFB];
	_ =	sdelay $0x3  }
0x93: {  	_ =	strace s4  }
0x94: {  	s4 =	sld [smem:$0x3FFC];
	_ =	sdelay $0x3  }
0x95: {  	_ =	strace s4  }
0x96: {  	s4 =	sld [smem:$0x3FFD];
	_ =	sdelay $0x3  }
0x97: {  	_ =	strace s4  }
0x98: {  	_ =	strace $0x8FFFFFFF  }
0x99: {  	s19 =	sld [smem:$0x3FDB];
	_ =	sdelay $0x1  }
0x9a: {  	s5 =	simm.s32 $_scs_section_size  }
0x9b: {  	s6 =	simm.s32 $_size__tile_overlayer_lowered;
	s7 =	simm.s32 $_tile_overlayer_lowered  }
0x9c: {  	s22 =	simm.s32 $0x1BFF;
	s21 =	sshll.u32 s7, $0x1;
	s4 =	sadd.s32 s5, s19  }
0x9d: {  	s8 =	simm.s32 $0x0;
	s20 =	sshll.u32 s6, $0x1;
	s6 =	sadd.s32 s21, s4  }
0x9e: {  	[timem:s8], [sflag:s22] =	dma.local [hbm:s6], s20  }
0x9f: {  	_ =	swait.ge [sflag:s22], s20  }
0xa0: {  	s5 =	ssub.s32 $0x0, s20;
	[sflag:s22] =	ssyncset.done $0x0  }
0xa1: {  	[sflag:s22] =	ssyncadd.s32 s5;
	_ =	sdelay $0x1  }
0xa2: {  	s23 =	simm.s32 $0x1B8B  }
0xa3: {  	_ =	swait.ge [sflag:s23], $0x1  }
0xa4: {  	[sflag:s23] =	ssyncset.done $0x0  }
0xa5: {  	s25 =	simm.s32 $0x1B8E;
	s24 =	sld [smem:$0x3FFE];
	[sflag:s23] =	ssyncadd.s32 $0xFFFFFFFF  }
0xa6: {  	s26 =	simm.s32 $execute0_lowered;
	[smem:$0x3FD2] =	sst s25  }
0xa7: {  	s6 =	sshll.u32 s26, $0x1;
	_ =	strace $0x80000046;
	[dreg:$0x1] =	wrdreg $0xFFFFFFFF  }
0xa8: {  	s28 =	simm.s32 $_size_execute0_lowered;
	s4 =	sadd.s32 s4, s6;
	[dreg:$0x0] =	wrdreg $0x0  }
0xa9: {  	s6 =	sshll.u32 s28, $0x1;
	[dreg:$0x2] =	wrdreg s4  }
0xaa: {  	[dreg:$0x3] =	wrdreg s6  }
0xab: {  	[dreg:$0x4] =	wrdreg $0xC0  }
0xac: {  	_ =	task [dreg:s8], $0x5FFFF  }
0xad: {  	[dreg:$0x1] =	wrdreg $0xFFFFFFFF  }
0xae: {  	[dreg:$0x0] =	wrdreg $0x60  }
0xaf: {  	[dreg:$0x2] =	wrdreg s2  }
0xb0: {  	[dreg:$0x3] =	wrdreg s24  }
0xb1: {  	[dreg:$0x4] =	wrdreg s18  }
0xb2: {  	[dreg:$0x5] =	wrdreg $0xA8000  }
0xb3: {  	[dreg:$0x6] =	wrdreg $0x9  }
0xb4: {  	_ =	task.clear_ibuf [dreg:s8], $0x7FFFF;
	_ =	strace $0x90000046  }
0xb5: {  	s29 =	simm.s32 $0x9;
	_ =	strace $0x80000048  }
0xb6: {  	_ =	swait.ge [sflag:s29], $0x1  }
0xb7: {  	[sflag:s29] =	ssyncadd.s32 $0xFFFFFFFF  }
0xb8: {  	_ =	strace $0x90000048  }
0xb9: {  	_ =	sfence  }
0xba: {  	s30 =	sld [smem:$0x0];
	_ =	sdelay $0x2  }
0xbb: {  	s31 =	sshll.u32 s1, $0xD;
	s1 =	sshrl.u32 s1, $0x2  }
0xbc: {  	s3 =	sand.u32 $0x4000, s31;
	s1 =	sadd.s32 s1, s30  }
0xbd: {  	s0 =	sor.u32 s3, s0;
	s1 =	sshll.u32 s1, $0x11  }
0xbe: {  	s0 =	sor.u32 s1, s0  }
0xbf: {  	s0 =	sadd.s32 $0x8F2B, s0  }
0xc0: {  	[sflag:s0] =	ssyncadd.remote.s32 $0x1  }
0xc1: {  	_ =	sfence.sel $0xFFFF  }
0xc2: {  	[dreg:$0x0] =	wrdreg $0xFFFFFFFF;
	(pc) =	sbr.abs _section_cstart, $3  }
0xc3: {  	[dreg:$0x1] =	wrdreg $0xFFFFFFFF  }
0xc4: {  	_ =	task.clear_ibuf [dreg:s8], $0x2FFFF;
	_ =	strace $0x9FFFFFFF  }
0xc5: {  	(tm) =	ssettm $0x7FFFFFFF  }
tec
execute0_lowered:
.L_overlay_start_1:
0x0: {  	(tag) =	ssettag $0x1  }
0x1: {  	s1 =	rddreg [dreg:$0x0]  }
0x2: {  	s0 =	srdreg.scid;
	s4 =	rddreg [dreg:$0x1]  }
0x3: {  	s13 =	stileid.u32;
	s5 =	rddreg [dreg:$0x2];
	s3 =	simm.s32 $0x0  }
0x4: {  	s29 =	simm.s32 $0xD;
	s31 =	simm.s32 $0x80;
	s0 =	sand.u32 $0x1, s0  }
0x5: {  	s30 =	simm.s32 $0x1;
	s18 =	smul.u32 $0x2710, s13;
	s2 =	sshll.u32 s0, $0x4  }
0x6: {  	s8 =	ssub.s32 $0x2, s0;
	s0 =	smul.u32 $0x27100, s0;
	s6 =	sor.u32 s13, s2  }
0x7: {  	[smem:$0x7FF] =	sst s3;
	s9 =	sadd.s32 $0x1C00, s4;
	s7 =	smul.u32 $0x2710, s6  }
0x8: {  	s2 =	rddreg [dreg:$0x3];
	s10 =	sshrl.u32 s8, $0x1;
	s6 =	smul.u32 $0x2780, s6  }
0x9: {  	s8 =	ssub.s32 s8, s10;
	s0 =	sadd.s32 s18, s0;
	s7 =	sshrl.u32 s7, $0x3  }
0xa: {  	s18 =	simm.s32 $0x180;
	s0 =	sadd.s32 $0x280, s0;
	s11 =	sadd.s32 s9, s7  }
0xb: {  	s22 =	sadd.s32 $0xA, s7;
	s23 =	sadd.s32 s5, s7;
	[dreg:$0x5] =	wrdreg s11  }
0xc: {  	s28 =	smax.u32 s8, $0x1;
	[dreg:$0x6] =	wrdreg s23;
	s24 =	sadd.s32 s9, s22  }
0xd: {  	s25 =	sadd.s32 $0x14, s7;
	s10 =	sadd.s32 s5, s22;
	[dreg:$0x7] =	wrdreg s24  }
0xe: {  	s26 =	sadd.s32 $0x1E, s7;
	s12 =	sadd.s32 s9, s25;
	[dreg:$0x8] =	wrdreg s10  }
0xf: {  	s15 =	sadd.s32 $0x28, s7;
	s14 =	sadd.s32 s5, s26;
	[dreg:$0x9] =	wrdreg s12  }
0x10: {  	s17 =	sadd.s32 $0x32, s7;
	s16 =	sadd.s32 s9, s15;
	[dreg:$0xc] =	wrdreg s14  }
0x11: {  	s8 =	simm.s32 $0x0;
	s19 =	sadd.s32 s9, s17;
	[dreg:$0xd] =	wrdreg s16  }
0x12: {  	s20 =	sadd.s32 $0x3C, s7;
	s11 =	sadd.s32 s5, s17;
	[dreg:$0xf] =	wrdreg s19  }
0x13: {  	s7 =	sadd.s32 $0x46, s7;
	s21 =	sadd.s32 s9, s20;
	[dreg:$0x10] =	wrdreg s11  }
0x14: {  	s0 =	sshrl.u32 s0, $0x3;
	s22 =	sadd.s32 s9, s7;
	[dreg:$0x11] =	wrdreg s21  }
0x15: {  	s7 =	sadd.s32 s5, s7;
	s23 =	smul.u32 $0x4E200, s13;
	[dreg:$0x13] =	wrdreg s22  }
0x16: {  	s10 =	sadd.s32 s5, s25;
	s12 =	sadd.s32 s9, s26;
	[dreg:$0x14] =	wrdreg s7  }
0x17: {  	s22 =	sadd.s32 s0, s9;
	s24 =	sadd.s32 s6, s4;
	s4 =	sadd.s32 $0xBA00, s4  }
0x18: {  	s26 =	sshll.u32 s13, $0x6;
	s6 =	simm.s32 $0x3;
	[dreg:$0xa] =	wrdreg s10  }
0x19: {  	s7 =	simm.s32 $0x4;
	[dreg:$0xb] =	wrdreg s12;
	s10 =	sadd.s32 s5, s15  }
0x1a: {  	s15 =	sadd.s32 s0, s5;
	[dreg:$0xe] =	wrdreg s10;
	s10 =	sadd.s32 s5, s20  }
0x1b: {  	s25 =	sshrl.u32 s23, $0x2;
	s0 =	sadd.s32 $0xE200, s24;
	[dreg:$0x12] =	wrdreg s10  }
0x1c: {  	s5 =	simm.s32 $0x2;
	_ =	strace $0x80000047;
	[dreg:$0x15] =	wrdreg s4  }
0x1d: {  	s4 =	sadd.s32 s25, s2;
	s25 =	sor.u32 $0x1C0D, s26;
	[dreg:$0x17] =	wrdreg s0  }
0x1e: {  	s0 =	simm.s32 $0x100;
	[dreg:$0x16] =	wrdreg s4;
	s4 =	simm.s32 $0x50  }
.LBB2_1:
0x1f: {  	s9 =	rddreg [dreg:$0x16]  }
0x20: {  	s10 =	rddreg [dreg:$0x15];
	s9 =	sshrl.u32 s9, $0x3  }
0x21: {  	[spmem:s9], [sflag:s25] =	dma.local [hbm:s10], $0x2710  }
0x22: {  	_ =	swait.ge [sflag:s29], $0x2710  }
0x23: {  	[sflag:s29] =	ssyncset.done $0x0  }
0x24: {  	s14 =	rddreg [dreg:$0x5];
	[sflag:s29] =	ssyncadd.s32 $0xFFFFD8F0  }
0x25: {  	[tilespmem:s3], [sflag:$0x1] =	stream.linear.gather [hbm4b:s14+s3], $0x50, $0x38;
	[tilespmem:$0x1E080] =	vst v63  }
0x26: {  	s11 =	simm.s32 $0x400;
	s16 =	rddreg [dreg:$0x6]  }
0x27: {  	[tilespmem:s11], [sflag:$0x1] =	stream.linear.gather [hbm4b:s16+s3], $0x50, $0x38;
	[tilespmem:$0x1E080] =	vst v63  }
0x28: {  	s17 =	rddreg [dreg:$0x7]  }
0x29: {  	[tilespmem:s31], [sflag:$0x2] =	stream.linear.gather [hbm4b:s17+s3], $0x50, $0x38;
	[tilespmem:$0x1E080] =	vst v63  }
0x2a: {  	s20 =	simm.s32 $0x480;
	s19 =	rddreg [dreg:$0x8]  }
0x2b: {  	[tilespmem:s20], [sflag:$0x2] =	stream.linear.gather [hbm4b:s19+s3], $0x50, $0x38;
	[tilespmem:$0x1E080] =	vst v63  }
0x2c: {  	s21 =	rddreg [dreg:$0x9]  }
0x2d: {  	[tilespmem:s0], [sflag:$0x3] =	stream.linear.gather [hbm4b:s21+s3], $0x50, $0x38;
	[tilespmem:$0x1E080] =	vst v63  }
0x2e: {  	s24 =	simm.s32 $0x500;
	s23 =	rddreg [dreg:$0xa]  }
0x2f: {  	[tilespmem:s24], [sflag:$0x3] =	stream.linear.gather [hbm4b:s23+s3], $0x50, $0x38;
	[tilespmem:$0x1E080] =	vst v63  }
0x30: {  	s26 =	rddreg [dreg:$0xb]  }
0x31: {  	[tilespmem:s18], [sflag:$0x4] =	stream.linear.gather [hbm4b:s26+s3], $0x50, $0x38;
	[tilespmem:$0x1E080] =	vst v63  }
0x32: {  	s12 =	simm.s32 $0x580;
	s11 =	rddreg [dreg:$0xc]  }
0x33: {  	[tilespmem:s12], [sflag:$0x4] =	stream.linear.gather [hbm4b:s11+s3], $0x50, $0x38;
	[tilespmem:$0x1E080] =	vst v63  }
0x34: {  	s13 =	rddreg [dreg:$0xd];
	s14 =	simm.s32 $0x200  }
0x35: {  	[tilespmem:s14], [sflag:$0x5] =	stream.linear.gather [hbm4b:s13+s3], $0x50, $0x38;
	[tilespmem:$0x1E080] =	vst v63  }
0x36: {  	s16 =	rddreg [dreg:$0xe];
	s17 =	simm.s32 $0x600  }
0x37: {  	[tilespmem:s17], [sflag:$0x5] =	stream.linear.gather [hbm4b:s16+s3], $0x50, $0x38;
	[tilespmem:$0x1E080] =	vst v63  }
0x38: {  	s19 =	rddreg [dreg:$0xf];
	s20 =	simm.s32 $0x280  }
0x39: {  	[tilespmem:s20], [sflag:$0x6] =	stream.linear.gather [hbm4b:s19+s3], $0x50, $0x38;
	[tilespmem:$0x1E080] =	vst v63  }
0x3a: {  	s21 =	rddreg [dreg:$0x10];
	s23 =	simm.s32 $0x680  }
0x3b: {  	[tilespmem:s23], [sflag:$0x6] =	stream.linear.gather [hbm4b:s21+s3], $0x50, $0x38;
	[tilespmem:$0x1E080] =	vst v63  }
0x3c: {  	s24 =	rddreg [dreg:$0x11];
	s26 =	simm.s32 $0x300  }
0x3d: {  	[tilespmem:s26], [sflag:$0x7] =	stream.linear.gather [hbm4b:s24+s3], $0x50, $0x38;
	[tilespmem:$0x1E080] =	vst v63  }
0x3e: {  	s11 =	rddreg [dreg:$0x12];
	s12 =	simm.s32 $0x700  }
0x3f: {  	[tilespmem:s12], [sflag:$0x7] =	stream.linear.gather [hbm4b:s11+s3], $0x50, $0x38;
	[tilespmem:$0x1E080] =	vst v63  }
0x40: {  	s13 =	rddreg [dreg:$0x13];
	s14 =	simm.s32 $0x380  }
0x41: {  	[tilespmem:s14], [sflag:$0x8] =	stream.linear.gather [hbm4b:s13+s3], $0x50, $0x38;
	[tilespmem:$0x1E080] =	vst v63  }
0x42: {  	s16 =	rddreg [dreg:$0x14];
	s17 =	simm.s32 $0x780  }
0x43: {  	[tilespmem:s17], [sflag:$0x8] =	stream.linear.gather [hbm4b:s16+s3], $0x50, $0x38;
	[tilespmem:$0x1E080] =	vst v63  }
0x44: {  	_ =	swait.ge [sflag:s30], $0x50  }
0x45: {  	[sflag:s30] =	ssyncset.done $0x0  }
0x46: {  	[sflag:s30] =	ssyncadd.s32 $0xFFFFFFB0  }
0x47: {  	_ =	swait.ge [sflag:s30], $0x50  }
0x48: {  	[sflag:s30] =	ssyncset.done $0x0  }
0x49: {  	s19 =	simm.s32 $0x800;
	[sflag:s30] =	ssyncadd.s32 $0xFFFFFFB0  }
0x4a: {  	[tilespmem:s19], [sflag:$0x9] =	stream.indirect.gather [hbm4b:s1+s4], $0x80, s3, s4, $0xb8;
	[tilespmem:$0x1E080] =	vst v63  }
0x4b: {  	_ =	swait.ge [sflag:s5], $0x50  }
0x4c: {  	[sflag:s5] =	ssyncset.done $0x0  }
0x4d: {  	[sflag:s5] =	ssyncadd.s32 $0xFFFFFFB0  }
0x4e: {  	_ =	swait.ge [sflag:s5], $0x50  }
0x4f: {  	[sflag:s5] =	ssyncset.done $0x0  }
0x50: {  	s20 =	simm.s32 $0x3000;
	[sflag:s5] =	ssyncadd.s32 $0xFFFFFFB0  }
0x51: {  	[tilespmem:s20], [sflag:$0xA] =	stream.indirect.gather [hbm4b:s1+s4], $0x80, s31, s4, $0xb8;
	[tilespmem:$0x1E080] =	vst v63  }
0x52: {  	_ =	swait.ge [sflag:s6], $0x50  }
0x53: {  	[sflag:s6] =	ssyncset.done $0x0  }
0x54: {  	[sflag:s6] =	ssyncadd.s32 $0xFFFFFFB0  }
0x55: {  	_ =	swait.ge [sflag:s6], $0x50  }
0x56: {  	[sflag:s6] =	ssyncset.done $0x0  }
0x57: {  	s21 =	simm.s32 $0x5800;
	[sflag:s6] =	ssyncadd.s32 $0xFFFFFFB0  }
0x58: {  	[tilespmem:s21], [sflag:$0xB] =	stream.indirect.gather [hbm4b:s1+s4], $0x80, s0, s4, $0xb8;
	[tilespmem:$0x1E080] =	vst v63  }
0x59: {  	_ =	swait.ge [sflag:s7], $0x50  }
0x5a: {  	[sflag:s7] =	ssyncset.done $0x0  }
0x5b: {  	[sflag:s7] =	ssyncadd.s32 $0xFFFFFFB0  }
0x5c: {  	_ =	swait.ge [sflag:s7], $0x50  }
0x5d: {  	[sflag:s7] =	ssyncset.done $0x0  }
0x5e: {  	s23 =	simm.s32 $0x8000;
	s24 =	sand.u32 $0x3, s3;
	[sflag:s7] =	ssyncadd.s32 $0xFFFFFFB0  }
0x5f: {  	[tilespmem:s23], [sflag:$0xC] =	stream.indirect.gather [hbm4b:s1+s4], $0x80, s18, s4, $0xb8;
	[tilespmem:$0x1E080] =	vst v63  }
0x60: {  	s26 =	smul.u32 $0xA000, s24;
	s10 =	sadd.s32 $0x9, s24;
	[bflag:$0x0] =	sbarrier.arrive $0xFFFF  }
0x61: {  	s12 =	sand.u32 $0x7, s3;
	_ =	swait.ge [sflag:s10], $0x2800  }
0x62: {  	s11 =	sshrl.u32 s26, $0x2;
	s14 =	sshll.u32 s12, $0x7;
	[sflag:s10] =	ssyncset.done $0x0  }
0x63: {  	s11 =	sadd.s32 $0x800, s11;
	s13 =	sor.u32 $0x400, s14;
	[sflag:s10] =	ssyncadd.s32 $0xFFFFD800  }
0x64: {  	[spmem:s2] =	stream.indirect.scatter.add.f32 [tilespmem:s11], [sflag:$0xD], $0x80, s13, s4, $0xb8;
	[tilespmem:$0x1E080] =	vst v63  }
0x65: {  	p0 =	por $0x0, $0x0;
	_ =	swait.ge [sflag:s29], $0x2800  }
0x66: {  	s16 =	sxor.u32 @!p0 $0x4, s12;
	[sflag:s29] =	ssyncset.done $0x0  }
0x67: {  	s17 =	sadd.s32 @!p0 $0x1, s16;
	[sflag:s29] =	ssyncadd.s32 $0xFFFFD800  }
0x68: {  	_ =	swait.ge @!p0 [sflag:s17], $0x50  }
0x69: {  	[sflag:s17] =	ssyncset.done @!p0 $0x0  }
0x6a: {  	[sflag:s17] =	ssyncadd.s32 @!p0 $0xFFFFFFB0  }
0x6b: {  	p1 =	por @!p0 $0x0, $0x0;
	_ =	swait.ge @!p0 [sflag:s17], $0x50  }
0x6c: {  	p1 =	por p1, p0;
	[sflag:s17] =	ssyncset.done @!p0 $0x0  }
0x6d: {  	s16 =	sshll.u32 @!p0 s16, $0x7;
	[sflag:s17] =	ssyncadd.s32 @!p0 $0xFFFFFFB0;
	s17 =	simm.s32 @!p0 $0x50  }
0x6e: {  	[tilespmem:s11], [sflag:s10] =	stream.indirect.gather @!p0 [hbm4b:s1+s17], $0x80, s16, s17, $0xb8;
	[tilespmem:$0x1E080] =	vst v63  }
0x6f: {  	s21 =	smov.u32 s15;
	s16 =	sadd.s32 @!p1 $0x1, s12  }
0x70: {  	s17 =	simm.s32 @!p1 $0x0;
	s12 =	simm.s32 $0x1;
	s10 =	sadd.s32 $0xA, s15  }
0x71: {  	[tilespmem:s14], [sflag:s16] =	stream.linear.gather @!p1 [hbm4b:s22+s17], $0x50, $0x38;
	[tilespmem:$0x1E080] =	vst v63  }
0x72: {  	s11 =	sadd.s32 $0xA, s22;
	s19 =	sand.u32 $0x3, s12;
	s14 =	simm.s32 $0x2  }
.LBB2_2:
0x73: {  	s20 =	smul.u32 $0xA000, s19;
	s19 =	sadd.s32 $0x9, s19  }
0x74: {  	p0 =	sgt.u32 s12, $0x78;
	s23 =	smov.u32 s14;
	s24 =	smov.u32 s11  }
0x75: {  	[tilespmem:s13], [sflag:s16] =	stream.linear.gather @!p1 [hbm4b:s21+s17], $0x50, $0x38;
	[tilespmem:$0x1E080] =	vst v63  }
0x76: {  	s16 =	sand.u32 $0x7, s12;
	s13 =	sshrl.u32 s20, $0x2;
	_ =	swait.ge [sflag:s19], $0x2800  }
0x77: {  	s20 =	sshll.u32 s16, $0x7;
	s17 =	sadd.s32 $0x800, s13;
	[sflag:s19] =	ssyncset.done $0x0  }
0x78: {  	s26 =	sxor.u32 @!p0 $0x4, s16;
	s13 =	sor.u32 $0x400, s20;
	[sflag:s19] =	ssyncadd.s32 $0xFFFFD800  }
0x79: {  	[spmem:s2] =	stream.indirect.scatter.add.f32 [tilespmem:s17], [sflag:$0xD], $0x80, s13, s4, $0xb8;
	[tilespmem:$0x1E080] =	vst v63  }
0x7a: {  	s14 =	sadd.s32 $0x1, s14;
	p1 =	sgt.u32 @!p0 s12, $0x74;
	_ =	swait.ge [sflag:s29], $0x2800  }
0x7b: {  	p2 =	sne.s32 s14, $0x7D;
	s12 =	smov.u32 s23;
	[sflag:s29] =	ssyncset.done $0x0  }
0x7c: {  	s21 =	smov.u32 s10;
	s23 =	sadd.s32 @!p0 $0x1, s26;
	[sflag:s29] =	ssyncadd.s32 $0xFFFFD800  }
0x7d: {  	_ =	swait.ge @!p0 [sflag:s23], $0x50  }
0x7e: {  	[sflag:s23] =	ssyncset.done @!p0 $0x0  }
0x7f: {  	[sflag:s23] =	ssyncadd.s32 @!p0 $0xFFFFFFB0  }
0x80: {  	s11 =	sadd.s32 $0xA, s11;
	s10 =	sadd.s32 $0xA, s10;
	_ =	swait.ge @!p0 [sflag:s23], $0x50  }
.Ltmp0:
0x81: {  	p1 =	por p1, p0;
	[sflag:s23] =	ssyncset.done @!p0 $0x0;
	(pc) =	sbr.rel @p2 .LBB2_2-.Ltmp0, $4  }
0x82: {  	s26 =	sshll.u32 @!p0 s26, $0x7;
	[sflag:s23] =	ssyncadd.s32 @!p0 $0xFFFFFFB0;
	s23 =	simm.s32 @!p0 $0x50  }
0x83: {  	[tilespmem:s17], [sflag:s19] =	stream.indirect.gather @!p0 [hbm4b:s1+s23], $0x80, s26, s23, $0xb8;
	[tilespmem:$0x1E080] =	vst v63  }
0x84: {  	s16 =	sadd.s32 @!p1 $0x1, s16;
	s19 =	sand.u32 $0x3, s12;
	s17 =	simm.s32 @!p1 $0x0  }
0x85: {  	[tilespmem:s20], [sflag:s16] =	stream.linear.gather @!p1 [hbm4b:s24+s17], $0x50, $0x38;
	[tilespmem:$0x1E080] =	vst v63  }
0x86: {  	s14 =	smul.u32 $0xA000, s19;
	s19 =	sadd.s32 $0x9, s19  }
0x87: {  	[tilespmem:s13], [sflag:s16] =	stream.linear.gather @!p1 [hbm4b:s21+s17], $0x50, $0x38;
	[tilespmem:$0x1E080] =	vst v63  }
0x88: {  	s13 =	sand.u32 $0x7, s12;
	_ =	swait.ge [sflag:s19], $0x2800  }
0x89: {  	s16 =	sshll.u32 s13, $0x7;
	s14 =	sshrl.u32 s14, $0x2;
	[sflag:s19] =	ssyncset.done $0x0  }
0x8a: {  	s17 =	sor.u32 $0x400, s16;
	s14 =	sadd.s32 $0x800, s14;
	[sflag:s19] =	ssyncadd.s32 $0xFFFFD800  }
0x8b: {  	[spmem:s2] =	stream.indirect.scatter.add.f32 [tilespmem:s14], [sflag:$0xD], $0x80, s17, s4, $0xb8;
	[tilespmem:$0x1E080] =	vst v63  }
0x8c: {  	p0 =	sgt.u32 s12, $0x78;
	_ =	swait.ge [sflag:s29], $0x2800  }
0x8d: {  	s20 =	sxor.u32 @!p0 $0x4, s13;
	[sflag:s29] =	ssyncset.done $0x0  }
0x8e: {  	s21 =	sadd.s32 @!p0 $0x1, s20;
	[sflag:s29] =	ssyncadd.s32 $0xFFFFD800  }
0x8f: {  	_ =	swait.ge @!p0 [sflag:s21], $0x50  }
0x90: {  	[sflag:s21] =	ssyncset.done @!p0 $0x0  }
0x91: {  	[sflag:s21] =	ssyncadd.s32 @!p0 $0xFFFFFFB0  }
0x92: {  	p1 =	sgt.u32 @!p0 s12, $0x74;
	_ =	swait.ge @!p0 [sflag:s21], $0x50  }
0x93: {  	p1 =	por p1, p0;
	[sflag:s21] =	ssyncset.done @!p0 $0x0  }
0x94: {  	s12 =	sshll.u32 @!p0 s20, $0x7;
	s20 =	simm.s32 @!p0 $0x50;
	[sflag:s21] =	ssyncadd.s32 @!p0 $0xFFFFFFB0  }
0x95: {  	[tilespmem:s14], [sflag:s19] =	stream.indirect.gather @!p0 [hbm4b:s1+s20], $0x80, s12, s20, $0xb8;
	[tilespmem:$0x1E080] =	vst v63  }
0x96: {  	s12 =	sadd.s32 @!p1 $0x1, s13;
	s13 =	simm.s32 @!p1 $0x0  }
0x97: {  	[tilespmem:s16], [sflag:s12] =	stream.linear.gather @!p1 [hbm4b:s11+s13], $0x50, $0x38;
	[tilespmem:$0x1E080] =	vst v63  }
0x98: {  	s8 =	sadd.s32 $0x1, s8  }
0x99: {  	[tilespmem:s17], [sflag:s12] =	stream.linear.gather @!p1 [hbm4b:s10+s13], $0x50, $0x38;
	[tilespmem:$0x1E080] =	vst v63  }
0x9a: {  	p0 =	sne.s32 s8, s28;
	[bflag:$0x0] =	sbarrier.arrive $0xFFFF  }
.Ltmp1:
0x9b: {  	s26 =	rddreg [dreg:$0x17];
	(pc) =	sbr.rel @p0 .LBB2_1-.Ltmp1, $4  }
0x9c: {  	[hbm:s26], [sflag:s25] =	dma.local [spmem:s9], $0x2710  }
0x9d: {  	_ =	swait.ge [sflag:s29], $0x2710  }
0x9e: {  	[sflag:s29] =	ssyncset.done $0x0  }
0x9f: {  	[sflag:s29] =	ssyncadd.s32 $0xFFFFD8F0  }
0xa0: {  	_ =	sfence.sel $0x180000  }
0xa1: {  	[bflag:$0x0] =	sbarrier.arrive $0xFFFF  }
0xa2: {  	_ =	strace $0x90000047  }
0xa3: {  	s0 =	stileid.u32;
	[bflag:$0x2] =	sbarrier.arrive $0xFFFF  }
0xa4: {  	p0 =	sne.s32 s0, $0x0;
	s0 =	rddreg [dreg:$0x4]  }
0xa5: {  	s0 =	sadd.s32 @!p0 $0x100000, s0  }
0xa6: {  	[sflag:s0] =	ssyncadd.tile.s32 @!p0 $0x1;
	_ =	shalt  }
.Lfunc_end2:
_tile_overlayer_lowered:
.L_overlay_start_2:
0xa7: {  	(tag) =	ssettag $0x2  }
0xa8: {  	s0 =	rddreg [dreg:$0x0];
	s2 =	stileid.u32  }
0xa9: {  	s1 =	rddreg [dreg:$0x1];
	p0 =	sne.s32 s2, $0x0  }
0xaa: {  	s3 =	rddreg [dreg:$0x2];
	[bflag:$0x3] =	sbarrier.arrive $0xFFFF;
	s2 =	simm.s32 @!p0 $0x1C0D  }
0xab: {  	[timem:s3], [sflag:s2] =	dma.local @!p0 [hbm:s0], s1  }
0xac: {  	s0 =	simm.s32 @!p0 $0xD  }
0xad: {  	_ =	swait.ge @!p0 [sflag:s0], s1  }
0xae: {  	s1 =	ssub.s32 @!p0 $0x0, s1;
	[sflag:s0] =	ssyncset.done @!p0 $0x0  }
0xaf: {  	[sflag:s0] =	ssyncadd.s32 @!p0 s1  }
0xb0: {  	[bflag:$0x3] =	sbarrier.arrive $0xFFFF  }
0xb1: {  	_ =	shalt  }

</sc_bundles>
